<compile_context>
chip_gen: v7x
topology: tpu7x:2x2x1
jax: 0.10.2.dev20260603
libtpu: 0.0.44.dev20260713+nightly
codegen_flags: <defaults>
</compile_context>

<pallas_src>
import functools

import jax
import jax.numpy as jnp
from jax import lax
from jax.experimental import pallas as pl
from jax.experimental.pallas import tpu as pltpu
from jax.experimental.pallas import tpu_sc as plsc

N, F, H, B = 100000, 128, 64, 512
BN = 1024
NP = 102400
GRID = NP // BN
LAST = (N + BN - 1) // BN - 1
PV = BN // 4
LASTV = (N + PV - 1) // PV - 1
NW = 32
CPT = NP // NW
WPT = CPT // 128
NCH = 5
CHN = CPT // NCH


def _dense_body(mc_ref, sc_ref, v0_ref, v1_ref, v2_ref, v3_ref, W1_ref,
                b1_ref, W2_ref, b2_ref, wgc_ref, bg_ref, mu_ref):
    step = pl.program_id(0)
    s = sc_ref[...]
    h = jnp.dot(s, W1_ref[...], preferred_element_type=jnp.float32)
    h = h + b1_ref[...]
    h = h * jax.nn.sigmoid(h)
    qg = jnp.dot(h, W2_ref[...], preferred_element_type=jnp.float32)
    qg = qg + b2_ref[...]
    q = qg[:, 0:1]
    gate = qg[:, 1:2]

    wgc = wgc_ref[...]
    parts = [r[...] for r in (v0_ref, v1_ref, v2_ref, v3_ref)]
    vp = [jnp.concatenate(
              [jnp.dot(p[:, c, :], wgc[:, c:c + 1],
                       preferred_element_type=jnp.float32) for p in parts],
              axis=0)
          for c in range(3)]
    vproj = jnp.concatenate(vp, axis=1) + bg_ref[0, 0]

    mu = gate * vproj + q * mc_ref[...]
    row = step * BN + lax.broadcasted_iota(jnp.int32, (BN, 1), 0)
    mu = jnp.where(row < N, mu, 0.0)
    mu_ref[...] = jnp.concatenate(
        [mu, jnp.zeros((BN, 125), jnp.float32)], axis=1)


def _dense_mu(mass_center_vec, scaler, vector, W1, b1, W2, b2, wgc, bg2):
    cl = lambda i: (jnp.minimum(i, LAST), 0)
    P = PV
    vmap4 = [lambda i, k=k: (jnp.minimum(4 * i + k, LASTV), 0, 0)
             for k in range(4)]
    return pl.pallas_call(
        _dense_body,
        grid=(GRID,),
        in_specs=[
            pl.BlockSpec((BN, 3), cl),
            pl.BlockSpec((BN, F), cl),
            pl.BlockSpec((P, 3, F), vmap4[0]),
            pl.BlockSpec((P, 3, F), vmap4[1]),
            pl.BlockSpec((P, 3, F), vmap4[2]),
            pl.BlockSpec((P, 3, F), vmap4[3]),
            pl.BlockSpec((F, 2 * H), lambda i: (0, 0)),
            pl.BlockSpec((1, 2 * H), lambda i: (0, 0)),
            pl.BlockSpec((2 * H, 2), lambda i: (0, 0)),
            pl.BlockSpec((1, 2), lambda i: (0, 0)),
            pl.BlockSpec((F, 3), lambda i: (0, 0)),
            pl.BlockSpec((1, 1), lambda i: (0, 0)),
        ],
        out_specs=pl.BlockSpec((BN, 128), lambda i: (i, 0)),
        out_shape=jax.ShapeDtypeStruct((NP, 128), jnp.float32),
        compiler_params=pltpu.CompilerParams(
            dimension_semantics=("arbitrary",),
        ),
    )(mass_center_vec, scaler, vector, vector, vector, vector,
      W1, b1, W2, b2, wgc, bg2)


def _make_sc_scatter():
    mesh = plsc.VectorSubcoreMesh(core_axis_name="c", subcore_axis_name="s")

    @functools.partial(
        pl.kernel, mesh=mesh,
        out_type=jax.ShapeDtypeStruct((2, B, 128), jnp.float32),
        compiler_params=pltpu.CompilerParams(use_tc_tiling_on_sc=False),
        scratch_types=[
            pltpu.VMEM((WPT, 128), jnp.int32),
            pltpu.VMEM((CHN, 128), jnp.float32),
            pltpu.VMEM_SHARED((B, 128), jnp.float32),
        ],
    )
    def sc_scatter(mu_hbm, idx_hbm, zeros_hbm, out_hbm, idx_v, mu_v, acc_sh):
        c = lax.axis_index("c")
        s = lax.axis_index("s")
        wid = s * 2 + c

        @pl.when(s == 0)
        def _zero():
            pltpu.sync_copy(zeros_hbm, acc_sh)

        pltpu.sync_copy(idx_hbm.at[wid], idx_v)
        plsc.subcore_barrier()
        for ch in range(NCH):
            pltpu.sync_copy(mu_hbm.at[wid, pl.ds(ch * CHN, CHN)], mu_v)
            for jj in range(CHN // 128):
                j = ch * (CHN // 128) + jj
                pltpu.sync_copy(mu_v.at[pl.ds(jj * 128, 128)],
                                acc_sh.at[idx_v.at[j]], add=True)
        plsc.subcore_barrier()

        @pl.when(s == 0)
        def _writeback():
            pltpu.sync_copy(acc_sh, out_hbm.at[c])

    return sc_scatter


def _norm_body(p_ref, out_ref):
    gm = p_ref[0] + p_ref[1]
    out_ref[...] = jnp.sqrt(jnp.sum(gm * gm, axis=1, keepdims=True))


@jax.jit
def kernel(mass_center_vec, scaler, vector, batch_index,
           Wq1, bq1, Wq2, bq2, Wm1, bm1, Wm2, bm2, Wg, bg):
    f32 = jnp.float32
    W1 = jnp.concatenate([Wq1, Wm1], axis=1)
    b1 = jnp.concatenate([bq1, bm1]).reshape(1, 2 * H)
    zH = jnp.zeros((H, 1), f32)
    W2 = jnp.concatenate([jnp.concatenate([Wq2, zH], axis=1),
                          jnp.concatenate([zH, Wm2], axis=1)], axis=0)
    b2 = jnp.concatenate([bq2, bm2]).reshape(1, 2)
    wgc = jnp.tile(Wg, (1, 3))
    bg2 = bg.reshape(1, 1)

    mu = _dense_mu(mass_center_vec, scaler, vector, W1, b1, W2, b2, wgc, bg2)
    mu3 = mu.reshape(NW, CPT, 128)
    idx3 = jnp.pad(batch_index, (0, NP - N)).reshape(NW, WPT, 128)
    zeros = jnp.zeros((B, 128), f32)

    part = _make_sc_scatter()(mu3, idx3, zeros)

    out = pl.pallas_call(
        _norm_body,
        out_shape=jax.ShapeDtypeStruct((B, 1), f32),
    )(part)
    return out

# --- scband reference (transcript-rebuilt; emitter-appended) ---
"""Pipeline reference for scband-dipole-moment-decoder-83416854823176 (READ-ONLY COPY).

The authoritative reference and input builder live on the scoring server;
editing this copy changes nothing except your own understanding.
"""

import jax, jax.numpy as jnp
import numpy as np

N, F, H, B = 100000, 128, 64, 512

def _mlp(x, W1, b1, W2, b2):
    h = jax.nn.silu(x @ W1 + b1)
    return h @ W2 + b2

def setup_inputs(seed: int = 0):
    key = jax.random.key(seed)
    ks = jax.random.split(key, 10)
    mass_center_vec = jax.random.normal(ks[0], (N, 3), dtype=jnp.float32)
    scaler = jax.random.normal(ks[1], (N, F), dtype=jnp.float32)
    vector = jax.random.normal(ks[2], (N, 3, F), dtype=jnp.float32)
    batch_index = jnp.sort(jax.random.randint(ks[3], (N,), 0, B, dtype=jnp.int32))
    s = 1.0 / np.sqrt(F); sh = 1.0 / np.sqrt(H)
    Wq1 = jax.random.uniform(ks[4], (F, H), minval=-s, maxval=s, dtype=jnp.float32)
    bq1 = jnp.zeros((H,), dtype=jnp.float32)
    Wq2 = jax.random.uniform(ks[5], (H, 1), minval=-sh, maxval=sh, dtype=jnp.float32)
    bq2 = jnp.zeros((1,), dtype=jnp.float32)
    Wm1 = jax.random.uniform(ks[6], (F, H), minval=-s, maxval=s, dtype=jnp.float32)
    bm1 = jnp.zeros((H,), dtype=jnp.float32)
    Wm2 = jax.random.uniform(ks[7], (H, 1), minval=-sh, maxval=sh, dtype=jnp.float32)
    bm2 = jnp.zeros((1,), dtype=jnp.float32)
    Wg = jax.random.uniform(ks[8], (F, 1), minval=-s, maxval=s, dtype=jnp.float32)
    bg = jnp.zeros((1,), dtype=jnp.float32)
    return {"mass_center_vec": mass_center_vec, "scaler": scaler, "vector": vector,
            "batch_index": batch_index,
            "Wq1": Wq1, "bq1": bq1, "Wq2": Wq2, "bq2": bq2,
            "Wm1": Wm1, "bm1": bm1, "Wm2": Wm2, "bm2": bm2,
            "Wg": Wg, "bg": bg}

def reference(mass_center_vec, scaler, vector, batch_index,
              Wq1, bq1, Wq2, bq2, Wm1, bm1, Wm2, bm2, Wg, bg):
    # decoder_q: per-node scalar charge q_i [N, 1]
    q_i = _mlp(scaler, Wq1, bq1, Wq2, bq2)
    # Gate: mlp(s.unsqueeze(1)) * w(v) -> [N,1,1] * [N,3,1] = [N,3,1]
    gate = _mlp(scaler[:, None, :], Wm1, bm1, Wm2, bm2)
    vproj = vector @ Wg + bg
    mu_i = jnp.squeeze(gate * vproj, axis=-1)  # [N, 3]
    node_mu = mu_i + q_i * mass_center_vec  # [N, 3]
    graph_mu = jax.ops.segment_sum(node_mu, batch_index, num_segments=B)  # [B, 3]
    out = jnp.linalg.norm(graph_mu, axis=-1, keepdims=True)  # out_features == 1
    return out

if __name__ == "__main__":
    import jax
    _d = setup_inputs()
    print(jax.jit(kernel)(*tuple(_d.values())))

</pallas_src>

<mosaic_0001>
#map = affine_map<(d0, d1) -> (0, 0, 0)>
#map1 = affine_map<(d0, d1) -> (0, 0)>
module attributes {stable_mosaic.version = 14 : i64} {
  func.func @sc_scatter(%arg0: i32, %arg1: i32, %arg2: memref<32x3200x128xf32, #tpu.memory_space<hbm>>, %arg3: memref<32x25x128xi32, #tpu.memory_space<hbm>>, %arg4: memref<512x128xf32, #tpu.memory_space<hbm>>, %arg5: memref<2x512x128xf32, #tpu.memory_space<hbm>>, %arg6: memref<25x128xi32, #tpu.memory_space<vmem>>, %arg7: memref<640x128xf32, #tpu.memory_space<vmem>>, %arg8: memref<512x128xf32, #tpu.memory_space<vmem_shared>>) attributes {dimension_semantics = [#tpu.dimension_semantics<core_parallel>, #tpu.dimension_semantics<subcore_parallel>], iteration_bounds = array<i64: 2, 16>, scalar_prefetch = 0 : i64, scratch_operands = 3 : i64, tpu.core_type = #tpu.core_type<sc_vector_subcore>, window_params = [{transform_indices = #map}, {transform_indices = #map}, {transform_indices = #map1}, {transform_indices = #map}]} {
    %mul3A = arith.constant 2 : i32
    %mul3A_0 = arith.muli %arg1, %mul3A : i32
    %add3A = arith.addi %mul3A_0, %arg0 : i32
    %eq3A = arith.constant 0 : i32
    %eq3A_1 = arith.cmpi eq, %arg1, %eq3A : i32
    %convert_element_type3A = arith.extui %eq3A_1 : i1 to i32
    %cond3A = arith.constant 0 : i32
    %cond3A_2 = arith.cmpi ne, %convert_element_type3A, %cond3A : i32
    scf.if %cond3A_2 {
      "tpu.region"() ({
        %run_scoped3A_33 = tpu.sem_alloc : memref<!tpu.dma_semaphore, #tpu.memory_space<semaphore_mem>>
        tpu.enqueue_dma source(%arg4 : memref<512x128xf32, #tpu.memory_space<hbm>>) target(%arg8 : memref<512x128xf32, #tpu.memory_space<vmem_shared>>) target_semaphore(%run_scoped3A_33 : memref<!tpu.dma_semaphore, #tpu.memory_space<semaphore_mem>>)
        tpu.wait_dma2 semaphore(%run_scoped3A_33 : memref<!tpu.dma_semaphore, #tpu.memory_space<semaphore_mem>>) src(%arg4 : memref<512x128xf32, #tpu.memory_space<hbm>>) dst(%arg8 : memref<512x128xf32, #tpu.memory_space<vmem_shared>>)
        tpu.yield
      }) : () -> ()
    } else {
    }
    "tpu.region"() ({
      %run_scoped3A_33 = tpu.sem_alloc : memref<!tpu.dma_semaphore, #tpu.memory_space<semaphore_mem>>
      %dma_start3A = arith.constant 0 : i32
      %dma_start3A_34 = arith.constant 0 : i32
      %dma_start3A_35 = tpu.memref_slice %arg3[%add3A, %dma_start3A, %dma_start3A_34] : memref<32x25x128xi32, #tpu.memory_space<hbm>> -> memref<1x25x128xi32, #tpu.memory_space<hbm>>
      %dma_start3A_36 = tpu.memref_squeeze %dma_start3A_35 : memref<1x25x128xi32, #tpu.memory_space<hbm>> -> memref<25x128xi32, #tpu.memory_space<hbm>>
      %dma_start3A_37 = arith.constant 0 : i32
      %dma_start3A_38 = arith.constant 0 : i32
      %dma_start3A_39 = tpu.memref_slice %arg3[%add3A, %dma_start3A_37, %dma_start3A_38] : memref<32x25x128xi32, #tpu.memory_space<hbm>> -> memref<1x25x128xi32, #tpu.memory_space<hbm>>
      %dma_start3A_40 = tpu.memref_squeeze %dma_start3A_39 : memref<1x25x128xi32, #tpu.memory_space<hbm>> -> memref<25x128xi32, #tpu.memory_space<hbm>>
      tpu.enqueue_dma source(%dma_start3A_40 : memref<25x128xi32, #tpu.memory_space<hbm>>) target(%arg6 : memref<25x128xi32, #tpu.memory_space<vmem>>) target_semaphore(%run_scoped3A_33 : memref<!tpu.dma_semaphore, #tpu.memory_space<semaphore_mem>>)
      %dma_wait3A = arith.constant 0 : i32
      %dma_wait3A_41 = arith.constant 0 : i32
      %dma_wait3A_42 = tpu.memref_slice %arg3[%add3A, %dma_wait3A, %dma_wait3A_41] : memref<32x25x128xi32, #tpu.memory_space<hbm>> -> memref<1x25x128xi32, #tpu.memory_space<hbm>>
      %dma_wait3A_43 = tpu.memref_squeeze %dma_wait3A_42 : memref<1x25x128xi32, #tpu.memory_space<hbm>> -> memref<25x128xi32, #tpu.memory_space<hbm>>
      %dma_wait3A_44 = arith.constant 0 : i32
      %dma_wait3A_45 = arith.constant 0 : i32
      %dma_wait3A_46 = tpu.memref_slice %arg3[%add3A, %dma_wait3A_44, %dma_wait3A_45] : memref<32x25x128xi32, #tpu.memory_space<hbm>> -> memref<1x25x128xi32, #tpu.memory_space<hbm>>
      %dma_wait3A_47 = tpu.memref_squeeze %dma_wait3A_46 : memref<1x25x128xi32, #tpu.memory_space<hbm>> -> memref<25x128xi32, #tpu.memory_space<hbm>>
      tpu.wait_dma2 semaphore(%run_scoped3A_33 : memref<!tpu.dma_semaphore, #tpu.memory_space<semaphore_mem>>) src(%dma_wait3A_47 : memref<25x128xi32, #tpu.memory_space<hbm>>) dst(%arg6 : memref<25x128xi32, #tpu.memory_space<vmem>>)
      tpu.yield
    }) : () -> ()
    %barrier3A = arith.constant 0 : index
    tpu.barrier barrier_id(%barrier3A)
    "tpu.region"() ({
      %run_scoped3A_33 = tpu.sem_alloc : memref<!tpu.dma_semaphore, #tpu.memory_space<semaphore_mem>>
      %dma_start3A = arith.constant 0 : i32
      %dma_start3A_34 = arith.constant 0 : i32
      %dma_start3A_35 = tpu.memref_slice %arg2[%add3A, %dma_start3A, %dma_start3A_34] : memref<32x3200x128xf32, #tpu.memory_space<hbm>> -> memref<1x640x128xf32, #tpu.memory_space<hbm>>
      %dma_start3A_36 = tpu.memref_squeeze %dma_start3A_35 : memref<1x640x128xf32, #tpu.memory_space<hbm>> -> memref<640x128xf32, #tpu.memory_space<hbm>>
      %dma_start3A_37 = arith.constant 0 : i32
      %dma_start3A_38 = arith.constant 0 : i32
      %dma_start3A_39 = tpu.memref_slice %arg2[%add3A, %dma_start3A_37, %dma_start3A_38] : memref<32x3200x128xf32, #tpu.memory_space<hbm>> -> memref<1x640x128xf32, #tpu.memory_space<hbm>>
      %dma_start3A_40 = tpu.memref_squeeze %dma_start3A_39 : memref<1x640x128xf32, #tpu.memory_space<hbm>> -> memref<640x128xf32, #tpu.memory_space<hbm>>
      tpu.enqueue_dma source(%dma_start3A_40 : memref<640x128xf32, #tpu.memory_space<hbm>>) target(%arg7 : memref<640x128xf32, #tpu.memory_space<vmem>>) target_semaphore(%run_scoped3A_33 : memref<!tpu.dma_semaphore, #tpu.memory_space<semaphore_mem>>)
      %dma_wait3A = arith.constant 0 : i32
      %dma_wait3A_41 = arith.constant 0 : i32
      %dma_wait3A_42 = tpu.memref_slice %arg2[%add3A, %dma_wait3A, %dma_wait3A_41] : memref<32x3200x128xf32, #tpu.memory_space<hbm>> -> memref<1x640x128xf32, #tpu.memory_space<hbm>>
      %dma_wait3A_43 = tpu.memref_squeeze %dma_wait3A_42 : memref<1x640x128xf32, #tpu.memory_space<hbm>> -> memref<640x128xf32, #tpu.memory_space<hbm>>
      %dma_wait3A_44 = arith.constant 0 : i32
      %dma_wait3A_45 = arith.constant 0 : i32
      %dma_wait3A_46 = tpu.memref_slice %arg2[%add3A, %dma_wait3A_44, %dma_wait3A_45] : memref<32x3200x128xf32, #tpu.memory_space<hbm>> -> memref<1x640x128xf32, #tpu.memory_space<hbm>>
      %dma_wait3A_47 = tpu.memref_squeeze %dma_wait3A_46 : memref<1x640x128xf32, #tpu.memory_space<hbm>> -> memref<640x128xf32, #tpu.memory_space<hbm>>
      tpu.wait_dma2 semaphore(%run_scoped3A_33 : memref<!tpu.dma_semaphore, #tpu.memory_space<semaphore_mem>>) src(%dma_wait3A_47 : memref<640x128xf32, #tpu.memory_space<hbm>>) dst(%arg7 : memref<640x128xf32, #tpu.memory_space<vmem>>)
      tpu.yield
    }) : () -> ()
    %run_scoped3A = arith.constant 0 : i32
    "tpu.region"() ({
      %run_scoped3A_33 = tpu.sem_alloc : memref<!tpu.dma_semaphore, #tpu.memory_space<semaphore_mem>>
      %dma_start3A = arith.constant 0 : i32
      %dma_start3A_34 = arith.constant 0 : i32
      %dma_start3A_35 = tpu.memref_slice %arg7[%dma_start3A, %dma_start3A_34] : memref<640x128xf32, #tpu.memory_space<vmem>> -> memref<128x128xf32, #tpu.memory_space<vmem>>
      %dma_start3A_36 = arith.constant 0 : i32
      %dma_start3A_37 = tpu.memref_slice %arg6[%run_scoped3A, %dma_start3A_36] : memref<25x128xi32, #tpu.memory_space<vmem>> -> memref<1x128xi32, #tpu.memory_space<vmem>>
      %dma_start3A_38 = tpu.memref_squeeze %dma_start3A_37 : memref<1x128xi32, #tpu.memory_space<vmem>> -> memref<128xi32, #tpu.memory_space<vmem>>
      %dma_start3A_39 = arith.constant 0 : i32
      %dma_start3A_40 = arith.constant 0 : i32
      %dma_start3A_41 = tpu.memref_slice %arg8[%dma_start3A_39, %dma_start3A_40] : memref<512x128xf32, #tpu.memory_space<vmem_shared>> -> memref<512x128xf32, #tpu.memory_space<vmem_shared>>
      tpu.enqueue_indirect_dma source(%dma_start3A_35 : memref<128x128xf32, #tpu.memory_space<vmem>>) target(%dma_start3A_41 : memref<512x128xf32, #tpu.memory_space<vmem_shared>>) offsets(%dma_start3A_38 : memref<128xi32, #tpu.memory_space<vmem>>) semaphore(%run_scoped3A_33 : memref<!tpu.dma_semaphore, #tpu.memory_space<semaphore_mem>>) {add = true}
      %dma_wait3A = arith.constant 0 : i32
      %dma_wait3A_42 = arith.constant 0 : i32
      %dma_wait3A_43 = tpu.memref_slice %arg7[%dma_wait3A, %dma_wait3A_42] : memref<640x128xf32, #tpu.memory_space<vmem>> -> memref<128x128xf32, #tpu.memory_space<vmem>>
      %dma_wait3A_44 = arith.constant 0 : i32
      %dma_wait3A_45 = tpu.memref_slice %arg6[%run_scoped3A, %dma_wait3A_44] : memref<25x128xi32, #tpu.memory_space<vmem>> -> memref<1x128xi32, #tpu.memory_space<vmem>>
      %dma_wait3A_46 = tpu.memref_squeeze %dma_wait3A_45 : memref<1x128xi32, #tpu.memory_space<vmem>> -> memref<128xi32, #tpu.memory_space<vmem>>
      %dma_wait3A_47 = arith.constant 0 : i32
      %dma_wait3A_48 = arith.constant 0 : i32
      %dma_wait3A_49 = tpu.memref_slice %arg8[%dma_wait3A_47, %dma_wait3A_48] : memref<512x128xf32, #tpu.memory_space<vmem_shared>> -> memref<512x128xf32, #tpu.memory_space<vmem_shared>>
      tpu.wait_indirect_dma semaphore(%run_scoped3A_33 : memref<!tpu.dma_semaphore, #tpu.memory_space<semaphore_mem>>) src(%dma_wait3A_43 : memref<128x128xf32, #tpu.memory_space<vmem>>) dst(%dma_wait3A_49 : memref<512x128xf32, #tpu.memory_space<vmem_shared>>)
      tpu.yield
    }) : () -> ()
    %run_scoped3A_3 = arith.constant 1 : i32
    "tpu.region"() ({
      %run_scoped3A_33 = tpu.sem_alloc : memref<!tpu.dma_semaphore, #tpu.memory_space<semaphore_mem>>
      %dma_start3A = arith.constant 128 : i32
      %dma_start3A_34 = arith.constant 0 : i32
      %dma_start3A_35 = tpu.memref_slice %arg7[%dma_start3A, %dma_start3A_34] : memref<640x128xf32, #tpu.memory_space<vmem>> -> memref<128x128xf32, #tpu.memory_space<vmem>>
      %dma_start3A_36 = arith.constant 0 : i32
      %dma_start3A_37 = tpu.memref_slice %arg6[%run_scoped3A_3, %dma_start3A_36] : memref<25x128xi32, #tpu.memory_space<vmem>> -> memref<1x128xi32, #tpu.memory_space<vmem>>
      %dma_start3A_38 = tpu.memref_squeeze %dma_start3A_37 : memref<1x128xi32, #tpu.memory_space<vmem>> -> memref<128xi32, #tpu.memory_space<vmem>>
      %dma_start3A_39 = arith.constant 0 : i32
      %dma_start3A_40 = arith.constant 0 : i32
      %dma_start3A_41 = tpu.memref_slice %arg8[%dma_start3A_39, %dma_start3A_40] : memref<512x128xf32, #tpu.memory_space<vmem_shared>> -> memref<512x128xf32, #tpu.memory_space<vmem_shared>>
      tpu.enqueue_indirect_dma source(%dma_start3A_35 : memref<128x128xf32, #tpu.memory_space<vmem>>) target(%dma_start3A_41 : memref<512x128xf32, #tpu.memory_space<vmem_shared>>) offsets(%dma_start3A_38 : memref<128xi32, #tpu.memory_space<vmem>>) semaphore(%run_scoped3A_33 : memref<!tpu.dma_semaphore, #tpu.memory_space<semaphore_mem>>) {add = true}
      %dma_wait3A = arith.constant 128 : i32
      %dma_wait3A_42 = arith.constant 0 : i32
      %dma_wait3A_43 = tpu.memref_slice %arg7[%dma_wait3A, %dma_wait3A_42] : memref<640x128xf32, #tpu.memory_space<vmem>> -> memref<128x128xf32, #tpu.memory_space<vmem>>
      %dma_wait3A_44 = arith.constant 0 : i32
      %dma_wait3A_45 = tpu.memref_slice %arg6[%run_scoped3A_3, %dma_wait3A_44] : memref<25x128xi32, #tpu.memory_space<vmem>> -> memref<1x128xi32, #tpu.memory_space<vmem>>
      %dma_wait3A_46 = tpu.memref_squeeze %dma_wait3A_45 : memref<1x128xi32, #tpu.memory_space<vmem>> -> memref<128xi32, #tpu.memory_space<vmem>>
      %dma_wait3A_47 = arith.constant 0 : i32
      %dma_wait3A_48 = arith.constant 0 : i32
      %dma_wait3A_49 = tpu.memref_slice %arg8[%dma_wait3A_47, %dma_wait3A_48] : memref<512x128xf32, #tpu.memory_space<vmem_shared>> -> memref<512x128xf32, #tpu.memory_space<vmem_shared>>
      tpu.wait_indirect_dma semaphore(%run_scoped3A_33 : memref<!tpu.dma_semaphore, #tpu.memory_space<semaphore_mem>>) src(%dma_wait3A_43 : memref<128x128xf32, #tpu.memory_space<vmem>>) dst(%dma_wait3A_49 : memref<512x128xf32, #tpu.memory_space<vmem_shared>>)
      tpu.yield
    }) : () -> ()
    %run_scoped3A_4 = arith.constant 2 : i32
    "tpu.region"() ({
      %run_scoped3A_33 = tpu.sem_alloc : memref<!tpu.dma_semaphore, #tpu.memory_space<semaphore_mem>>
      %dma_start3A = arith.constant 256 : i32
      %dma_start3A_34 = arith.constant 0 : i32
      %dma_start3A_35 = tpu.memref_slice %arg7[%dma_start3A, %dma_start3A_34] : memref<640x128xf32, #tpu.memory_space<vmem>> -> memref<128x128xf32, #tpu.memory_space<vmem>>
      %dma_start3A_36 = arith.constant 0 : i32
      %dma_start3A_37 = tpu.memref_slice %arg6[%run_scoped3A_4, %dma_start3A_36] : memref<25x128xi32, #tpu.memory_space<vmem>> -> memref<1x128xi32, #tpu.memory_space<vmem>>
      %dma_start3A_38 = tpu.memref_squeeze %dma_start3A_37 : memref<1x128xi32, #tpu.memory_space<vmem>> -> memref<128xi32, #tpu.memory_space<vmem>>
      %dma_start3A_39 = arith.constant 0 : i32
      %dma_start3A_40 = arith.constant 0 : i32
      %dma_start3A_41 = tpu.memref_slice %arg8[%dma_start3A_39, %dma_start3A_40] : memref<512x128xf32, #tpu.memory_space<vmem_shared>> -> memref<512x128xf32, #tpu.memory_space<vmem_shared>>
      tpu.enqueue_indirect_dma source(%dma_start3A_35 : memref<128x128xf32, #tpu.memory_space<vmem>>) target(%dma_start3A_41 : memref<512x128xf32, #tpu.memory_space<vmem_shared>>) offsets(%dma_start3A_38 : memref<128xi32, #tpu.memory_space<vmem>>) semaphore(%run_scoped3A_33 : memref<!tpu.dma_semaphore, #tpu.memory_space<semaphore_mem>>) {add = true}
      %dma_wait3A = arith.constant 256 : i32
      %dma_wait3A_42 = arith.constant 0 : i32
      %dma_wait3A_43 = tpu.memref_slice %arg7[%dma_wait3A, %dma_wait3A_42] : memref<640x128xf32, #tpu.memory_space<vmem>> -> memref<128x128xf32, #tpu.memory_space<vmem>>
      %dma_wait3A_44 = arith.constant 0 : i32
      %dma_wait3A_45 = tpu.memref_slice %arg6[%run_scoped3A_4, %dma_wait3A_44] : memref<25x128xi32, #tpu.memory_space<vmem>> -> memref<1x128xi32, #tpu.memory_space<vmem>>
      %dma_wait3A_46 = tpu.memref_squeeze %dma_wait3A_45 : memref<1x128xi32, #tpu.memory_space<vmem>> -> memref<128xi32, #tpu.memory_space<vmem>>
      %dma_wait3A_47 = arith.constant 0 : i32
      %dma_wait3A_48 = arith.constant 0 : i32
      %dma_wait3A_49 = tpu.memref_slice %arg8[%dma_wait3A_47, %dma_wait3A_48] : memref<512x128xf32, #tpu.memory_space<vmem_shared>> -> memref<512x128xf32, #tpu.memory_space<vmem_shared>>
      tpu.wait_indirect_dma semaphore(%run_scoped3A_33 : memref<!tpu.dma_semaphore, #tpu.memory_space<semaphore_mem>>) src(%dma_wait3A_43 : memref<128x128xf32, #tpu.memory_space<vmem>>) dst(%dma_wait3A_49 : memref<512x128xf32, #tpu.memory_space<vmem_shared>>)
      tpu.yield
    }) : () -> ()
    %run_scoped3A_5 = arith.constant 3 : i32
    "tpu.region"() ({
      %run_scoped3A_33 = tpu.sem_alloc : memref<!tpu.dma_semaphore, #tpu.memory_space<semaphore_mem>>
      %dma_start3A = arith.constant 384 : i32
      %dma_start3A_34 = arith.constant 0 : i32
      %dma_start3A_35 = tpu.memref_slice %arg7[%dma_start3A, %dma_start3A_34] : memref<640x128xf32, #tpu.memory_space<vmem>> -> memref<128x128xf32, #tpu.memory_space<vmem>>
      %dma_start3A_36 = arith.constant 0 : i32
      %dma_start3A_37 = tpu.memref_slice %arg6[%run_scoped3A_5, %dma_start3A_36] : memref<25x128xi32, #tpu.memory_space<vmem>> -> memref<1x128xi32, #tpu.memory_space<vmem>>
      %dma_start3A_38 = tpu.memref_squeeze %dma_start3A_37 : memref<1x128xi32, #tpu.memory_space<vmem>> -> memref<128xi32, #tpu.memory_space<vmem>>
      %dma_start3A_39 = arith.constant 0 : i32
      %dma_start3A_40 = arith.constant 0 : i32
      %dma_start3A_41 = tpu.memref_slice %arg8[%dma_start3A_39, %dma_start3A_40] : memref<512x128xf32, #tpu.memory_space<vmem_shared>> -> memref<512x128xf32, #tpu.memory_space<vmem_shared>>
      tpu.enqueue_indirect_dma source(%dma_start3A_35 : memref<128x128xf32, #tpu.memory_space<vmem>>) target(%dma_start3A_41 : memref<512x128xf32, #tpu.memory_space<vmem_shared>>) offsets(%dma_start3A_38 : memref<128xi32, #tpu.memory_space<vmem>>) semaphore(%run_scoped3A_33 : memref<!tpu.dma_semaphore, #tpu.memory_space<semaphore_mem>>) {add = true}
      %dma_wait3A = arith.constant 384 : i32
      %dma_wait3A_42 = arith.constant 0 : i32
      %dma_wait3A_43 = tpu.memref_slice %arg7[%dma_wait3A, %dma_wait3A_42] : memref<640x128xf32, #tpu.memory_space<vmem>> -> memref<128x128xf32, #tpu.memory_space<vmem>>
      %dma_wait3A_44 = arith.constant 0 : i32
      %dma_wait3A_45 = tpu.memref_slice %arg6[%run_scoped3A_5, %dma_wait3A_44] : memref<25x128xi32, #tpu.memory_space<vmem>> -> memref<1x128xi32, #tpu.memory_space<vmem>>
      %dma_wait3A_46 = tpu.memref_squeeze %dma_wait3A_45 : memref<1x128xi32, #tpu.memory_space<vmem>> -> memref<128xi32, #tpu.memory_space<vmem>>
      %dma_wait3A_47 = arith.constant 0 : i32
      %dma_wait3A_48 = arith.constant 0 : i32
      %dma_wait3A_49 = tpu.memref_slice %arg8[%dma_wait3A_47, %dma_wait3A_48] : memref<512x128xf32, #tpu.memory_space<vmem_shared>> -> memref<512x128xf32, #tpu.memory_space<vmem_shared>>
      tpu.wait_indirect_dma semaphore(%run_scoped3A_33 : memref<!tpu.dma_semaphore, #tpu.memory_space<semaphore_mem>>) src(%dma_wait3A_43 : memref<128x128xf32, #tpu.memory_space<vmem>>) dst(%dma_wait3A_49 : memref<512x128xf32, #tpu.memory_space<vmem_shared>>)
      tpu.yield
    }) : () -> ()
    %run_scoped3A_6 = arith.constant 4 : i32
    "tpu.region"() ({
      %run_scoped3A_33 = tpu.sem_alloc : memref<!tpu.dma_semaphore, #tpu.memory_space<semaphore_mem>>
      %dma_start3A = arith.constant 512 : i32
      %dma_start3A_34 = arith.constant 0 : i32
      %dma_start3A_35 = tpu.memref_slice %arg7[%dma_start3A, %dma_start3A_34] : memref<640x128xf32, #tpu.memory_space<vmem>> -> memref<128x128xf32, #tpu.memory_space<vmem>>
      %dma_start3A_36 = arith.constant 0 : i32
      %dma_start3A_37 = tpu.memref_slice %arg6[%run_scoped3A_6, %dma_start3A_36] : memref<25x128xi32, #tpu.memory_space<vmem>> -> memref<1x128xi32, #tpu.memory_space<vmem>>
      %dma_start3A_38 = tpu.memref_squeeze %dma_start3A_37 : memref<1x128xi32, #tpu.memory_space<vmem>> -> memref<128xi32, #tpu.memory_space<vmem>>
      %dma_start3A_39 = arith.constant 0 : i32
      %dma_start3A_40 = arith.constant 0 : i32
      %dma_start3A_41 = tpu.memref_slice %arg8[%dma_start3A_39, %dma_start3A_40] : memref<512x128xf32, #tpu.memory_space<vmem_shared>> -> memref<512x128xf32, #tpu.memory_space<vmem_shared>>
      tpu.enqueue_indirect_dma source(%dma_start3A_35 : memref<128x128xf32, #tpu.memory_space<vmem>>) target(%dma_start3A_41 : memref<512x128xf32, #tpu.memory_space<vmem_shared>>) offsets(%dma_start3A_38 : memref<128xi32, #tpu.memory_space<vmem>>) semaphore(%run_scoped3A_33 : memref<!tpu.dma_semaphore, #tpu.memory_space<semaphore_mem>>) {add = true}
      %dma_wait3A = arith.constant 512 : i32
      %dma_wait3A_42 = arith.constant 0 : i32
      %dma_wait3A_43 = tpu.memref_slice %arg7[%dma_wait3A, %dma_wait3A_42] : memref<640x128xf32, #tpu.memory_space<vmem>> -> memref<128x128xf32, #tpu.memory_space<vmem>>
      %dma_wait3A_44 = arith.constant 0 : i32
      %dma_wait3A_45 = tpu.memref_slice %arg6[%run_scoped3A_6, %dma_wait3A_44] : memref<25x128xi32, #tpu.memory_space<vmem>> -> memref<1x128xi32, #tpu.memory_space<vmem>>
      %dma_wait3A_46 = tpu.memref_squeeze %dma_wait3A_45 : memref<1x128xi32, #tpu.memory_space<vmem>> -> memref<128xi32, #tpu.memory_space<vmem>>
      %dma_wait3A_47 = arith.constant 0 : i32
      %dma_wait3A_48 = arith.constant 0 : i32
      %dma_wait3A_49 = tpu.memref_slice %arg8[%dma_wait3A_47, %dma_wait3A_48] : memref<512x128xf32, #tpu.memory_space<vmem_shared>> -> memref<512x128xf32, #tpu.memory_space<vmem_shared>>
      tpu.wait_indirect_dma semaphore(%run_scoped3A_33 : memref<!tpu.dma_semaphore, #tpu.memory_space<semaphore_mem>>) src(%dma_wait3A_43 : memref<128x128xf32, #tpu.memory_space<vmem>>) dst(%dma_wait3A_49 : memref<512x128xf32, #tpu.memory_space<vmem_shared>>)
      tpu.yield
    }) : () -> ()
    "tpu.region"() ({
      %run_scoped3A_33 = tpu.sem_alloc : memref<!tpu.dma_semaphore, #tpu.memory_space<semaphore_mem>>
      %dma_start3A = arith.constant 640 : i32
      %dma_start3A_34 = arith.constant 0 : i32
      %dma_start3A_35 = tpu.memref_slice %arg2[%add3A, %dma_start3A, %dma_start3A_34] : memref<32x3200x128xf32, #tpu.memory_space<hbm>> -> memref<1x640x128xf32, #tpu.memory_space<hbm>>
      %dma_start3A_36 = tpu.memref_squeeze %dma_start3A_35 : memref<1x640x128xf32, #tpu.memory_space<hbm>> -> memref<640x128xf32, #tpu.memory_space<hbm>>
      %dma_start3A_37 = arith.constant 640 : i32
      %dma_start3A_38 = arith.constant 0 : i32
      %dma_start3A_39 = tpu.memref_slice %arg2[%add3A, %dma_start3A_37, %dma_start3A_38] : memref<32x3200x128xf32, #tpu.memory_space<hbm>> -> memref<1x640x128xf32, #tpu.memory_space<hbm>>
      %dma_start3A_40 = tpu.memref_squeeze %dma_start3A_39 : memref<1x640x128xf32, #tpu.memory_space<hbm>> -> memref<640x128xf32, #tpu.memory_space<hbm>>
      tpu.enqueue_dma source(%dma_start3A_40 : memref<640x128xf32, #tpu.memory_space<hbm>>) target(%arg7 : memref<640x128xf32, #tpu.memory_space<vmem>>) target_semaphore(%run_scoped3A_33 : memref<!tpu.dma_semaphore, #tpu.memory_space<semaphore_mem>>)
      %dma_wait3A = arith.constant 640 : i32
      %dma_wait3A_41 = arith.constant 0 : i32
      %dma_wait3A_42 = tpu.memref_slice %arg2[%add3A, %dma_wait3A, %dma_wait3A_41] : memref<32x3200x128xf32, #tpu.memory_space<hbm>> -> memref<1x640x128xf32, #tpu.memory_space<hbm>>
      %dma_wait3A_43 = tpu.memref_squeeze %dma_wait3A_42 : memref<1x640x128xf32, #tpu.memory_space<hbm>> -> memref<640x128xf32, #tpu.memory_space<hbm>>
      %dma_wait3A_44 = arith.constant 640 : i32
      %dma_wait3A_45 = arith.constant 0 : i32
      %dma_wait3A_46 = tpu.memref_slice %arg2[%add3A, %dma_wait3A_44, %dma_wait3A_45] : memref<32x3200x128xf32, #tpu.memory_space<hbm>> -> memref<1x640x128xf32, #tpu.memory_space<hbm>>
      %dma_wait3A_47 = tpu.memref_squeeze %dma_wait3A_46 : memref<1x640x128xf32, #tpu.memory_space<hbm>> -> memref<640x128xf32, #tpu.memory_space<hbm>>
      tpu.wait_dma2 semaphore(%run_scoped3A_33 : memref<!tpu.dma_semaphore, #tpu.memory_space<semaphore_mem>>) src(%dma_wait3A_47 : memref<640x128xf32, #tpu.memory_space<hbm>>) dst(%arg7 : memref<640x128xf32, #tpu.memory_space<vmem>>)
      tpu.yield
    }) : () -> ()
    %run_scoped3A_7 = arith.constant 5 : i32
    "tpu.region"() ({
      %run_scoped3A_33 = tpu.sem_alloc : memref<!tpu.dma_semaphore, #tpu.memory_space<semaphore_mem>>
      %dma_start3A = arith.constant 0 : i32
      %dma_start3A_34 = arith.constant 0 : i32
      %dma_start3A_35 = tpu.memref_slice %arg7[%dma_start3A, %dma_start3A_34] : memref<640x128xf32, #tpu.memory_space<vmem>> -> memref<128x128xf32, #tpu.memory_space<vmem>>
      %dma_start3A_36 = arith.constant 0 : i32
      %dma_start3A_37 = tpu.memref_slice %arg6[%run_scoped3A_7, %dma_start3A_36] : memref<25x128xi32, #tpu.memory_space<vmem>> -> memref<1x128xi32, #tpu.memory_space<vmem>>
      %dma_start3A_38 = tpu.memref_squeeze %dma_start3A_37 : memref<1x128xi32, #tpu.memory_space<vmem>> -> memref<128xi32, #tpu.memory_space<vmem>>
      %dma_start3A_39 = arith.constant 0 : i32
      %dma_start3A_40 = arith.constant 0 : i32
      %dma_start3A_41 = tpu.memref_slice %arg8[%dma_start3A_39, %dma_start3A_40] : memref<512x128xf32, #tpu.memory_space<vmem_shared>> -> memref<512x128xf32, #tpu.memory_space<vmem_shared>>
      tpu.enqueue_indirect_dma source(%dma_start3A_35 : memref<128x128xf32, #tpu.memory_space<vmem>>) target(%dma_start3A_41 : memref<512x128xf32, #tpu.memory_space<vmem_shared>>) offsets(%dma_start3A_38 : memref<128xi32, #tpu.memory_space<vmem>>) semaphore(%run_scoped3A_33 : memref<!tpu.dma_semaphore, #tpu.memory_space<semaphore_mem>>) {add = true}
      %dma_wait3A = arith.constant 0 : i32
      %dma_wait3A_42 = arith.constant 0 : i32
      %dma_wait3A_43 = tpu.memref_slice %arg7[%dma_wait3A, %dma_wait3A_42] : memref<640x128xf32, #tpu.memory_space<vmem>> -> memref<128x128xf32, #tpu.memory_space<vmem>>
      %dma_wait3A_44 = arith.constant 0 : i32
      %dma_wait3A_45 = tpu.memref_slice %arg6[%run_scoped3A_7, %dma_wait3A_44] : memref<25x128xi32, #tpu.memory_space<vmem>> -> memref<1x128xi32, #tpu.memory_space<vmem>>
      %dma_wait3A_46 = tpu.memref_squeeze %dma_wait3A_45 : memref<1x128xi32, #tpu.memory_space<vmem>> -> memref<128xi32, #tpu.memory_space<vmem>>
      %dma_wait3A_47 = arith.constant 0 : i32
      %dma_wait3A_48 = arith.constant 0 : i32
      %dma_wait3A_49 = tpu.memref_slice %arg8[%dma_wait3A_47, %dma_wait3A_48] : memref<512x128xf32, #tpu.memory_space<vmem_shared>> -> memref<512x128xf32, #tpu.memory_space<vmem_shared>>
      tpu.wait_indirect_dma semaphore(%run_scoped3A_33 : memref<!tpu.dma_semaphore, #tpu.memory_space<semaphore_mem>>) src(%dma_wait3A_43 : memref<128x128xf32, #tpu.memory_space<vmem>>) dst(%dma_wait3A_49 : memref<512x128xf32, #tpu.memory_space<vmem_shared>>)
      tpu.yield
    }) : () -> ()
    %run_scoped3A_8 = arith.constant 6 : i32
    "tpu.region"() ({
      %run_scoped3A_33 = tpu.sem_alloc : memref<!tpu.dma_semaphore, #tpu.memory_space<semaphore_mem>>
      %dma_start3A = arith.constant 128 : i32
      %dma_start3A_34 = arith.constant 0 : i32
      %dma_start3A_35 = tpu.memref_slice %arg7[%dma_start3A, %dma_start3A_34] : memref<640x128xf32, #tpu.memory_space<vmem>> -> memref<128x128xf32, #tpu.memory_space<vmem>>
      %dma_start3A_36 = arith.constant 0 : i32
      %dma_start3A_37 = tpu.memref_slice %arg6[%run_scoped3A_8, %dma_start3A_36] : memref<25x128xi32, #tpu.memory_space<vmem>> -> memref<1x128xi32, #tpu.memory_space<vmem>>
      %dma_start3A_38 = tpu.memref_squeeze %dma_start3A_37 : memref<1x128xi32, #tpu.memory_space<vmem>> -> memref<128xi32, #tpu.memory_space<vmem>>
      %dma_start3A_39 = arith.constant 0 : i32
      %dma_start3A_40 = arith.constant 0 : i32
      %dma_start3A_41 = tpu.memref_slice %arg8[%dma_start3A_39, %dma_start3A_40] : memref<512x128xf32, #tpu.memory_space<vmem_shared>> -> memref<512x128xf32, #tpu.memory_space<vmem_shared>>
      tpu.enqueue_indirect_dma source(%dma_start3A_35 : memref<128x128xf32, #tpu.memory_space<vmem>>) target(%dma_start3A_41 : memref<512x128xf32, #tpu.memory_space<vmem_shared>>) offsets(%dma_start3A_38 : memref<128xi32, #tpu.memory_space<vmem>>) semaphore(%run_scoped3A_33 : memref<!tpu.dma_semaphore, #tpu.memory_space<semaphore_mem>>) {add = true}
      %dma_wait3A = arith.constant 128 : i32
      %dma_wait3A_42 = arith.constant 0 : i32
      %dma_wait3A_43 = tpu.memref_slice %arg7[%dma_wait3A, %dma_wait3A_42] : memref<640x128xf32, #tpu.memory_space<vmem>> -> memref<128x128xf32, #tpu.memory_space<vmem>>
      %dma_wait3A_44 = arith.constant 0 : i32
      %dma_wait3A_45 = tpu.memref_slice %arg6[%run_scoped3A_8, %dma_wait3A_44] : memref<25x128xi32, #tpu.memory_space<vmem>> -> memref<1x128xi32, #tpu.memory_space<vmem>>
      %dma_wait3A_46 = tpu.memref_squeeze %dma_wait3A_45 : memref<1x128xi32, #tpu.memory_space<vmem>> -> memref<128xi32, #tpu.memory_space<vmem>>
      %dma_wait3A_47 = arith.constant 0 : i32
      %dma_wait3A_48 = arith.constant 0 : i32
      %dma_wait3A_49 = tpu.memref_slice %arg8[%dma_wait3A_47, %dma_wait3A_48] : memref<512x128xf32, #tpu.memory_space<vmem_shared>> -> memref<512x128xf32, #tpu.memory_space<vmem_shared>>
      tpu.wait_indirect_dma semaphore(%run_scoped3A_33 : memref<!tpu.dma_semaphore, #tpu.memory_space<semaphore_mem>>) src(%dma_wait3A_43 : memref<128x128xf32, #tpu.memory_space<vmem>>) dst(%dma_wait3A_49 : memref<512x128xf32, #tpu.memory_space<vmem_shared>>)
      tpu.yield
    }) : () -> ()
    %run_scoped3A_9 = arith.constant 7 : i32
    "tpu.region"() ({
      %run_scoped3A_33 = tpu.sem_alloc : memref<!tpu.dma_semaphore, #tpu.memory_space<semaphore_mem>>
      %dma_start3A = arith.constant 256 : i32
      %dma_start3A_34 = arith.constant 0 : i32
      %dma_start3A_35 = tpu.memref_slice %arg7[%dma_start3A, %dma_start3A_34] : memref<640x128xf32, #tpu.memory_space<vmem>> -> memref<128x128xf32, #tpu.memory_space<vmem>>
      %dma_start3A_36 = arith.constant 0 : i32
      %dma_start3A_37 = tpu.memref_slice %arg6[%run_scoped3A_9, %dma_start3A_36] : memref<25x128xi32, #tpu.memory_space<vmem>> -> memref<1x128xi32, #tpu.memory_space<vmem>>
      %dma_start3A_38 = tpu.memref_squeeze %dma_start3A_37 : memref<1x128xi32, #tpu.memory_space<vmem>> -> memref<128xi32, #tpu.memory_space<vmem>>
      %dma_start3A_39 = arith.constant 0 : i32
      %dma_start3A_40 = arith.constant 0 : i32
      %dma_start3A_41 = tpu.memref_slice %arg8[%dma_start3A_39, %dma_start3A_40] : memref<512x128xf32, #tpu.memory_space<vmem_shared>> -> memref<512x128xf32, #tpu.memory_space<vmem_shared>>
      tpu.enqueue_indirect_dma source(%dma_start3A_35 : memref<128x128xf32, #tpu.memory_space<vmem>>) target(%dma_start3A_41 : memref<512x128xf32, #tpu.memory_space<vmem_shared>>) offsets(%dma_start3A_38 : memref<128xi32, #tpu.memory_space<vmem>>) semaphore(%run_scoped3A_33 : memref<!tpu.dma_semaphore, #tpu.memory_space<semaphore_mem>>) {add = true}
      %dma_wait3A = arith.constant 256 : i32
      %dma_wait3A_42 = arith.constant 0 : i32
      %dma_wait3A_43 = tpu.memref_slice %arg7[%dma_wait3A, %dma_wait3A_42] : memref<640x128xf32, #tpu.memory_space<vmem>> -> memref<128x128xf32, #tpu.memory_space<vmem>>
      %dma_wait3A_44 = arith.constant 0 : i32
      %dma_wait3A_45 = tpu.memref_slice %arg6[%run_scoped3A_9, %dma_wait3A_44] : memref<25x128xi32, #tpu.memory_space<vmem>> -> memref<1x128xi32, #tpu.memory_space<vmem>>
      %dma_wait3A_46 = tpu.memref_squeeze %dma_wait3A_45 : memref<1x128xi32, #tpu.memory_space<vmem>> -> memref<128xi32, #tpu.memory_space<vmem>>
      %dma_wait3A_47 = arith.constant 0 : i32
      %dma_wait3A_48 = arith.constant 0 : i32
      %dma_wait3A_49 = tpu.memref_slice %arg8[%dma_wait3A_47, %dma_wait3A_48] : memref<512x128xf32, #tpu.memory_space<vmem_shared>> -> memref<512x128xf32, #tpu.memory_space<vmem_shared>>
      tpu.wait_indirect_dma semaphore(%run_scoped3A_33 : memref<!tpu.dma_semaphore, #tpu.memory_space<semaphore_mem>>) src(%dma_wait3A_43 : memref<128x128xf32, #tpu.memory_space<vmem>>) dst(%dma_wait3A_49 : memref<512x128xf32, #tpu.memory_space<vmem_shared>>)
      tpu.yield
    }) : () -> ()
    %run_scoped3A_10 = arith.constant 8 : i32
    "tpu.region"() ({
      %run_scoped3A_33 = tpu.sem_alloc : memref<!tpu.dma_semaphore, #tpu.memory_space<semaphore_mem>>
      %dma_start3A = arith.constant 384 : i32
      %dma_start3A_34 = arith.constant 0 : i32
      %dma_start3A_35 = tpu.memref_slice %arg7[%dma_start3A, %dma_start3A_34] : memref<640x128xf32, #tpu.memory_space<vmem>> -> memref<128x128xf32, #tpu.memory_space<vmem>>
      %dma_start3A_36 = arith.constant 0 : i32
      %dma_start3A_37 = tpu.memref_slice %arg6[%run_scoped3A_10, %dma_start3A_36] : memref<25x128xi32, #tpu.memory_space<vmem>> -> memref<1x128xi32, #tpu.memory_space<vmem>>
      %dma_start3A_38 = tpu.memref_squeeze %dma_start3A_37 : memref<1x128xi32, #tpu.memory_space<vmem>> -> memref<128xi32, #tpu.memory_space<vmem>>
      %dma_start3A_39 = arith.constant 0 : i32
      %dma_start3A_40 = arith.constant 0 : i32
      %dma_start3A_41 = tpu.memref_slice %arg8[%dma_start3A_39, %dma_start3A_40] : memref<512x128xf32, #tpu.memory_space<vmem_shared>> -> memref<512x128xf32, #tpu.memory_space<vmem_shared>>
      tpu.enqueue_indirect_dma source(%dma_start3A_35 : memref<128x128xf32, #tpu.memory_space<vmem>>) target(%dma_start3A_41 : memref<512x128xf32, #tpu.memory_space<vmem_shared>>) offsets(%dma_start3A_38 : memref<128xi32, #tpu.memory_space<vmem>>) semaphore(%run_scoped3A_33 : memref<!tpu.dma_semaphore, #tpu.memory_space<semaphore_mem>>) {add = true}
      %dma_wait3A = arith.constant 384 : i32
      %dma_wait3A_42 = arith.constant 0 : i32
      %dma_wait3A_43 = tpu.memref_slice %arg7[%dma_wait3A, %dma_wait3A_42] : memref<640x128xf32, #tpu.memory_space<vmem>> -> memref<128x128xf32, #tpu.memory_space<vmem>>
      %dma_wait3A_44 = arith.constant 0 : i32
      %dma_wait3A_45 = tpu.memref_slice %arg6[%run_scoped3A_10, %dma_wait3A_44] : memref<25x128xi32, #tpu.memory_space<vmem>> -> memref<1x128xi32, #tpu.memory_space<vmem>>
      %dma_wait3A_46 = tpu.memref_squeeze %dma_wait3A_45 : memref<1x128xi32, #tpu.memory_space<vmem>> -> memref<128xi32, #tpu.memory_space<vmem>>
      %dma_wait3A_47 = arith.constant 0 : i32
      %dma_wait3A_48 = arith.constant 0 : i32
      %dma_wait3A_49 = tpu.memref_slice %arg8[%dma_wait3A_47, %dma_wait3A_48] : memref<512x128xf32, #tpu.memory_space<vmem_shared>> -> memref<512x128xf32, #tpu.memory_space<vmem_shared>>
      tpu.wait_indirect_dma semaphore(%run_scoped3A_33 : memref<!tpu.dma_semaphore, #tpu.memory_space<semaphore_mem>>) src(%dma_wait3A_43 : memref<128x128xf32, #tpu.memory_space<vmem>>) dst(%dma_wait3A_49 : memref<512x128xf32, #tpu.memory_space<vmem_shared>>)
      tpu.yield
    }) : () -> ()
    %run_scoped3A_11 = arith.constant 9 : i32
    "tpu.region"() ({
      %run_scoped3A_33 = tpu.sem_alloc : memref<!tpu.dma_semaphore, #tpu.memory_space<semaphore_mem>>
      %dma_start3A = arith.constant 512 : i32
      %dma_start3A_34 = arith.constant 0 : i32
      %dma_start3A_35 = tpu.memref_slice %arg7[%dma_start3A, %dma_start3A_34] : memref<640x128xf32, #tpu.memory_space<vmem>> -> memref<128x128xf32, #tpu.memory_space<vmem>>
      %dma_start3A_36 = arith.constant 0 : i32
      %dma_start3A_37 = tpu.memref_slice %arg6[%run_scoped3A_11, %dma_start3A_36] : memref<25x128xi32, #tpu.memory_space<vmem>> -> memref<1x128xi32, #tpu.memory_space<vmem>>
      %dma_start3A_38 = tpu.memref_squeeze %dma_start3A_37 : memref<1x128xi32, #tpu.memory_space<vmem>> -> memref<128xi32, #tpu.memory_space<vmem>>
      %dma_start3A_39 = arith.constant 0 : i32
      %dma_start3A_40 = arith.constant 0 : i32
      %dma_start3A_41 = tpu.memref_slice %arg8[%dma_start3A_39, %dma_start3A_40] : memref<512x128xf32, #tpu.memory_space<vmem_shared>> -> memref<512x128xf32, #tpu.memory_space<vmem_shared>>
      tpu.enqueue_indirect_dma source(%dma_start3A_35 : memref<128x128xf32, #tpu.memory_space<vmem>>) target(%dma_start3A_41 : memref<512x128xf32, #tpu.memory_space<vmem_shared>>) offsets(%dma_start3A_38 : memref<128xi32, #tpu.memory_space<vmem>>) semaphore(%run_scoped3A_33 : memref<!tpu.dma_semaphore, #tpu.memory_space<semaphore_mem>>) {add = true}
      %dma_wait3A = arith.constant 512 : i32
      %dma_wait3A_42 = arith.constant 0 : i32
      %dma_wait3A_43 = tpu.memref_slice %arg7[%dma_wait3A, %dma_wait3A_42] : memref<640x128xf32, #tpu.memory_space<vmem>> -> memref<128x128xf32, #tpu.memory_space<vmem>>
      %dma_wait3A_44 = arith.constant 0 : i32
      %dma_wait3A_45 = tpu.memref_slice %arg6[%run_scoped3A_11, %dma_wait3A_44] : memref<25x128xi32, #tpu.memory_space<vmem>> -> memref<1x128xi32, #tpu.memory_space<vmem>>
      %dma_wait3A_46 = tpu.memref_squeeze %dma_wait3A_45 : memref<1x128xi32, #tpu.memory_space<vmem>> -> memref<128xi32, #tpu.memory_space<vmem>>
      %dma_wait3A_47 = arith.constant 0 : i32
      %dma_wait3A_48 = arith.constant 0 : i32
      %dma_wait3A_49 = tpu.memref_slice %arg8[%dma_wait3A_47, %dma_wait3A_48] : memref<512x128xf32, #tpu.memory_space<vmem_shared>> -> memref<512x128xf32, #tpu.memory_space<vmem_shared>>
      tpu.wait_indirect_dma semaphore(%run_scoped3A_33 : memref<!tpu.dma_semaphore, #tpu.memory_space<semaphore_mem>>) src(%dma_wait3A_43 : memref<128x128xf32, #tpu.memory_space<vmem>>) dst(%dma_wait3A_49 : memref<512x128xf32, #tpu.memory_space<vmem_shared>>)
      tpu.yield
    }) : () -> ()
    "tpu.region"() ({
      %run_scoped3A_33 = tpu.sem_alloc : memref<!tpu.dma_semaphore, #tpu.memory_space<semaphore_mem>>
      %dma_start3A = arith.constant 1280 : i32
      %dma_start3A_34 = arith.constant 0 : i32
      %dma_start3A_35 = tpu.memref_slice %arg2[%add3A, %dma_start3A, %dma_start3A_34] : memref<32x3200x128xf32, #tpu.memory_space<hbm>> -> memref<1x640x128xf32, #tpu.memory_space<hbm>>
      %dma_start3A_36 = tpu.memref_squeeze %dma_start3A_35 : memref<1x640x128xf32, #tpu.memory_space<hbm>> -> memref<640x128xf32, #tpu.memory_space<hbm>>
      %dma_start3A_37 = arith.constant 1280 : i32
      %dma_start3A_38 = arith.constant 0 : i32
      %dma_start3A_39 = tpu.memref_slice %arg2[%add3A, %dma_start3A_37, %dma_start3A_38] : memref<32x3200x128xf32, #tpu.memory_space<hbm>> -> memref<1x640x128xf32, #tpu.memory_space<hbm>>
      %dma_start3A_40 = tpu.memref_squeeze %dma_start3A_39 : memref<1x640x128xf32, #tpu.memory_space<hbm>> -> memref<640x128xf32, #tpu.memory_space<hbm>>
      tpu.enqueue_dma source(%dma_start3A_40 : memref<640x128xf32, #tpu.memory_space<hbm>>) target(%arg7 : memref<640x128xf32, #tpu.memory_space<vmem>>) target_semaphore(%run_scoped3A_33 : memref<!tpu.dma_semaphore, #tpu.memory_space<semaphore_mem>>)
      %dma_wait3A = arith.constant 1280 : i32
      %dma_wait3A_41 = arith.constant 0 : i32
      %dma_wait3A_42 = tpu.memref_slice %arg2[%add3A, %dma_wait3A, %dma_wait3A_41] : memref<32x3200x128xf32, #tpu.memory_space<hbm>> -> memref<1x640x128xf32, #tpu.memory_space<hbm>>
      %dma_wait3A_43 = tpu.memref_squeeze %dma_wait3A_42 : memref<1x640x128xf32, #tpu.memory_space<hbm>> -> memref<640x128xf32, #tpu.memory_space<hbm>>
      %dma_wait3A_44 = arith.constant 1280 : i32
      %dma_wait3A_45 = arith.constant 0 : i32
      %dma_wait3A_46 = tpu.memref_slice %arg2[%add3A, %dma_wait3A_44, %dma_wait3A_45] : memref<32x3200x128xf32, #tpu.memory_space<hbm>> -> memref<1x640x128xf32, #tpu.memory_space<hbm>>
      %dma_wait3A_47 = tpu.memref_squeeze %dma_wait3A_46 : memref<1x640x128xf32, #tpu.memory_space<hbm>> -> memref<640x128xf32, #tpu.memory_space<hbm>>
      tpu.wait_dma2 semaphore(%run_scoped3A_33 : memref<!tpu.dma_semaphore, #tpu.memory_space<semaphore_mem>>) src(%dma_wait3A_47 : memref<640x128xf32, #tpu.memory_space<hbm>>) dst(%arg7 : memref<640x128xf32, #tpu.memory_space<vmem>>)
      tpu.yield
    }) : () -> ()
    %run_scoped3A_12 = arith.constant 10 : i32
    "tpu.region"() ({
      %run_scoped3A_33 = tpu.sem_alloc : memref<!tpu.dma_semaphore, #tpu.memory_space<semaphore_mem>>
      %dma_start3A = arith.constant 0 : i32
      %dma_start3A_34 = arith.constant 0 : i32
      %dma_start3A_35 = tpu.memref_slice %arg7[%dma_start3A, %dma_start3A_34] : memref<640x128xf32, #tpu.memory_space<vmem>> -> memref<128x128xf32, #tpu.memory_space<vmem>>
      %dma_start3A_36 = arith.constant 0 : i32
      %dma_start3A_37 = tpu.memref_slice %arg6[%run_scoped3A_12, %dma_start3A_36] : memref<25x128xi32, #tpu.memory_space<vmem>> -> memref<1x128xi32, #tpu.memory_space<vmem>>
      %dma_start3A_38 = tpu.memref_squeeze %dma_start3A_37 : memref<1x128xi32, #tpu.memory_space<vmem>> -> memref<128xi32, #tpu.memory_space<vmem>>
      %dma_start3A_39 = arith.constant 0 : i32
      %dma_start3A_40 = arith.constant 0 : i32
      %dma_start3A_41 = tpu.memref_slice %arg8[%dma_start3A_39, %dma_start3A_40] : memref<512x128xf32, #tpu.memory_space<vmem_shared>> -> memref<512x128xf32, #tpu.memory_space<vmem_shared>>
      tpu.enqueue_indirect_dma source(%dma_start3A_35 : memref<128x128xf32, #tpu.memory_space<vmem>>) target(%dma_start3A_41 : memref<512x128xf32, #tpu.memory_space<vmem_shared>>) offsets(%dma_start3A_38 : memref<128xi32, #tpu.memory_space<vmem>>) semaphore(%run_scoped3A_33 : memref<!tpu.dma_semaphore, #tpu.memory_space<semaphore_mem>>) {add = true}
      %dma_wait3A = arith.constant 0 : i32
      %dma_wait3A_42 = arith.constant 0 : i32
      %dma_wait3A_43 = tpu.memref_slice %arg7[%dma_wait3A, %dma_wait3A_42] : memref<640x128xf32, #tpu.memory_space<vmem>> -> memref<128x128xf32, #tpu.memory_space<vmem>>
      %dma_wait3A_44 = arith.constant 0 : i32
      %dma_wait3A_45 = tpu.memref_slice %arg6[%run_scoped3A_12, %dma_wait3A_44] : memref<25x128xi32, #tpu.memory_space<vmem>> -> memref<1x128xi32, #tpu.memory_space<vmem>>
      %dma_wait3A_46 = tpu.memref_squeeze %dma_wait3A_45 : memref<1x128xi32, #tpu.memory_space<vmem>> -> memref<128xi32, #tpu.memory_space<vmem>>
      %dma_wait3A_47 = arith.constant 0 : i32
      %dma_wait3A_48 = arith.constant 0 : i32
      %dma_wait3A_49 = tpu.memref_slice %arg8[%dma_wait3A_47, %dma_wait3A_48] : memref<512x128xf32, #tpu.memory_space<vmem_shared>> -> memref<512x128xf32, #tpu.memory_space<vmem_shared>>
      tpu.wait_indirect_dma semaphore(%run_scoped3A_33 : memref<!tpu.dma_semaphore, #tpu.memory_space<semaphore_mem>>) src(%dma_wait3A_43 : memref<128x128xf32, #tpu.memory_space<vmem>>) dst(%dma_wait3A_49 : memref<512x128xf32, #tpu.memory_space<vmem_shared>>)
      tpu.yield
    }) : () -> ()
    %run_scoped3A_13 = arith.constant 11 : i32
    "tpu.region"() ({
      %run_scoped3A_33 = tpu.sem_alloc : memref<!tpu.dma_semaphore, #tpu.memory_space<semaphore_mem>>
      %dma_start3A = arith.constant 128 : i32
      %dma_start3A_34 = arith.constant 0 : i32
      %dma_start3A_35 = tpu.memref_slice %arg7[%dma_start3A, %dma_start3A_34] : memref<640x128xf32, #tpu.memory_space<vmem>> -> memref<128x128xf32, #tpu.memory_space<vmem>>
      %dma_start3A_36 = arith.constant 0 : i32
      %dma_start3A_37 = tpu.memref_slice %arg6[%run_scoped3A_13, %dma_start3A_36] : memref<25x128xi32, #tpu.memory_space<vmem>> -> memref<1x128xi32, #tpu.memory_space<vmem>>
      %dma_start3A_38 = tpu.memref_squeeze %dma_start3A_37 : memref<1x128xi32, #tpu.memory_space<vmem>> -> memref<128xi32, #tpu.memory_space<vmem>>
      %dma_start3A_39 = arith.constant 0 : i32
      %dma_start3A_40 = arith.constant 0 : i32
      %dma_start3A_41 = tpu.memref_slice %arg8[%dma_start3A_39, %dma_start3A_40] : memref<512x128xf32, #tpu.memory_space<vmem_shared>> -> memref<512x128xf32, #tpu.memory_space<vmem_shared>>
      tpu.enqueue_indirect_dma source(%dma_start3A_35 : memref<128x128xf32, #tpu.memory_space<vmem>>) target(%dma_start3A_41 : memref<512x128xf32, #tpu.memory_space<vmem_shared>>) offsets(%dma_start3A_38 : memref<128xi32, #tpu.memory_space<vmem>>) semaphore(%run_scoped3A_33 : memref<!tpu.dma_semaphore, #tpu.memory_space<semaphore_mem>>) {add = true}
      %dma_wait3A = arith.constant 128 : i32
      %dma_wait3A_42 = arith.constant 0 : i32
      %dma_wait3A_43 = tpu.memref_slice %arg7[%dma_wait3A, %dma_wait3A_42] : memref<640x128xf32, #tpu.memory_space<vmem>> -> memref<128x128xf32, #tpu.memory_space<vmem>>
      %dma_wait3A_44 = arith.constant 0 : i32
      %dma_wait3A_45 = tpu.memref_slice %arg6[%run_scoped3A_13, %dma_wait3A_44] : memref<25x128xi32, #tpu.memory_space<vmem>> -> memref<1x128xi32, #tpu.memory_space<vmem>>
      %dma_wait3A_46 = tpu.memref_squeeze %dma_wait3A_45 : memref<1x128xi32, #tpu.memory_space<vmem>> -> memref<128xi32, #tpu.memory_space<vmem>>
      %dma_wait3A_47 = arith.constant 0 : i32
      %dma_wait3A_48 = arith.constant 0 : i32
      %dma_wait3A_49 = tpu.memref_slice %arg8[%dma_wait3A_47, %dma_wait3A_48] : memref<512x128xf32, #tpu.memory_space<vmem_shared>> -> memref<512x128xf32, #tpu.memory_space<vmem_shared>>
      tpu.wait_indirect_dma semaphore(%run_scoped3A_33 : memref<!tpu.dma_semaphore, #tpu.memory_space<semaphore_mem>>) src(%dma_wait3A_43 : memref<128x128xf32, #tpu.memory_space<vmem>>) dst(%dma_wait3A_49 : memref<512x128xf32, #tpu.memory_space<vmem_shared>>)
      tpu.yield
    }) : () -> ()
    %run_scoped3A_14 = arith.constant 12 : i32
    "tpu.region"() ({
      %run_scoped3A_33 = tpu.sem_alloc : memref<!tpu.dma_semaphore, #tpu.memory_space<semaphore_mem>>
      %dma_start3A = arith.constant 256 : i32
      %dma_start3A_34 = arith.constant 0 : i32
      %dma_start3A_35 = tpu.memref_slice %arg7[%dma_start3A, %dma_start3A_34] : memref<640x128xf32, #tpu.memory_space<vmem>> -> memref<128x128xf32, #tpu.memory_space<vmem>>
      %dma_start3A_36 = arith.constant 0 : i32
      %dma_start3A_37 = tpu.memref_slice %arg6[%run_scoped3A_14, %dma_start3A_36] : memref<25x128xi32, #tpu.memory_space<vmem>> -> memref<1x128xi32, #tpu.memory_space<vmem>>
      %dma_start3A_38 = tpu.memref_squeeze %dma_start3A_37 : memref<1x128xi32, #tpu.memory_space<vmem>> -> memref<128xi32, #tpu.memory_space<vmem>>
      %dma_start3A_39 = arith.constant 0 : i32
      %dma_start3A_40 = arith.constant 0 : i32
      %dma_start3A_41 = tpu.memref_slice %arg8[%dma_start3A_39, %dma_start3A_40] : memref<512x128xf32, #tpu.memory_space<vmem_shared>> -> memref<512x128xf32, #tpu.memory_space<vmem_shared>>
      tpu.enqueue_indirect_dma source(%dma_start3A_35 : memref<128x128xf32, #tpu.memory_space<vmem>>) target(%dma_start3A_41 : memref<512x128xf32, #tpu.memory_space<vmem_shared>>) offsets(%dma_start3A_38 : memref<128xi32, #tpu.memory_space<vmem>>) semaphore(%run_scoped3A_33 : memref<!tpu.dma_semaphore, #tpu.memory_space<semaphore_mem>>) {add = true}
      %dma_wait3A = arith.constant 256 : i32
      %dma_wait3A_42 = arith.constant 0 : i32
      %dma_wait3A_43 = tpu.memref_slice %arg7[%dma_wait3A, %dma_wait3A_42] : memref<640x128xf32, #tpu.memory_space<vmem>> -> memref<128x128xf32, #tpu.memory_space<vmem>>
      %dma_wait3A_44 = arith.constant 0 : i32
      %dma_wait3A_45 = tpu.memref_slice %arg6[%run_scoped3A_14, %dma_wait3A_44] : memref<25x128xi32, #tpu.memory_space<vmem>> -> memref<1x128xi32, #tpu.memory_space<vmem>>
      %dma_wait3A_46 = tpu.memref_squeeze %dma_wait3A_45 : memref<1x128xi32, #tpu.memory_space<vmem>> -> memref<128xi32, #tpu.memory_space<vmem>>
      %dma_wait3A_47 = arith.constant 0 : i32
      %dma_wait3A_48 = arith.constant 0 : i32
      %dma_wait3A_49 = tpu.memref_slice %arg8[%dma_wait3A_47, %dma_wait3A_48] : memref<512x128xf32, #tpu.memory_space<vmem_shared>> -> memref<512x128xf32, #tpu.memory_space<vmem_shared>>
      tpu.wait_indirect_dma semaphore(%run_scoped3A_33 : memref<!tpu.dma_semaphore, #tpu.memory_space<semaphore_mem>>) src(%dma_wait3A_43 : memref<128x128xf32, #tpu.memory_space<vmem>>) dst(%dma_wait3A_49 : memref<512x128xf32, #tpu.memory_space<vmem_shared>>)
      tpu.yield
    }) : () -> ()
    %run_scoped3A_15 = arith.constant 13 : i32
    "tpu.region"() ({
      %run_scoped3A_33 = tpu.sem_alloc : memref<!tpu.dma_semaphore, #tpu.memory_space<semaphore_mem>>
      %dma_start3A = arith.constant 384 : i32
      %dma_start3A_34 = arith.constant 0 : i32
      %dma_start3A_35 = tpu.memref_slice %arg7[%dma_start3A, %dma_start3A_34] : memref<640x128xf32, #tpu.memory_space<vmem>> -> memref<128x128xf32, #tpu.memory_space<vmem>>
      %dma_start3A_36 = arith.constant 0 : i32
      %dma_start3A_37 = tpu.memref_slice %arg6[%run_scoped3A_15, %dma_start3A_36] : memref<25x128xi32, #tpu.memory_space<vmem>> -> memref<1x128xi32, #tpu.memory_space<vmem>>
      %dma_start3A_38 = tpu.memref_squeeze %dma_start3A_37 : memref<1x128xi32, #tpu.memory_space<vmem>> -> memref<128xi32, #tpu.memory_space<vmem>>
      %dma_start3A_39 = arith.constant 0 : i32
      %dma_start3A_40 = arith.constant 0 : i32
      %dma_start3A_41 = tpu.memref_slice %arg8[%dma_start3A_39, %dma_start3A_40] : memref<512x128xf32, #tpu.memory_space<vmem_shared>> -> memref<512x128xf32, #tpu.memory_space<vmem_shared>>
      tpu.enqueue_indirect_dma source(%dma_start3A_35 : memref<128x128xf32, #tpu.memory_space<vmem>>) target(%dma_start3A_41 : memref<512x128xf32, #tpu.memory_space<vmem_shared>>) offsets(%dma_start3A_38 : memref<128xi32, #tpu.memory_space<vmem>>) semaphore(%run_scoped3A_33 : memref<!tpu.dma_semaphore, #tpu.memory_space<semaphore_mem>>) {add = true}
      %dma_wait3A = arith.constant 384 : i32
      %dma_wait3A_42 = arith.constant 0 : i32
      %dma_wait3A_43 = tpu.memref_slice %arg7[%dma_wait3A, %dma_wait3A_42] : memref<640x128xf32, #tpu.memory_space<vmem>> -> memref<128x128xf32, #tpu.memory_space<vmem>>
      %dma_wait3A_44 = arith.constant 0 : i32
      %dma_wait3A_45 = tpu.memref_slice %arg6[%run_scoped3A_15, %dma_wait3A_44] : memref<25x128xi32, #tpu.memory_space<vmem>> -> memref<1x128xi32, #tpu.memory_space<vmem>>
      %dma_wait3A_46 = tpu.memref_squeeze %dma_wait3A_45 : memref<1x128xi32, #tpu.memory_space<vmem>> -> memref<128xi32, #tpu.memory_space<vmem>>
      %dma_wait3A_47 = arith.constant 0 : i32
      %dma_wait3A_48 = arith.constant 0 : i32
      %dma_wait3A_49 = tpu.memref_slice %arg8[%dma_wait3A_47, %dma_wait3A_48] : memref<512x128xf32, #tpu.memory_space<vmem_shared>> -> memref<512x128xf32, #tpu.memory_space<vmem_shared>>
      tpu.wait_indirect_dma semaphore(%run_scoped3A_33 : memref<!tpu.dma_semaphore, #tpu.memory_space<semaphore_mem>>) src(%dma_wait3A_43 : memref<128x128xf32, #tpu.memory_space<vmem>>) dst(%dma_wait3A_49 : memref<512x128xf32, #tpu.memory_space<vmem_shared>>)
      tpu.yield
    }) : () -> ()
    %run_scoped3A_16 = arith.constant 14 : i32
    "tpu.region"() ({
      %run_scoped3A_33 = tpu.sem_alloc : memref<!tpu.dma_semaphore, #tpu.memory_space<semaphore_mem>>
      %dma_start3A = arith.constant 512 : i32
      %dma_start3A_34 = arith.constant 0 : i32
      %dma_start3A_35 = tpu.memref_slice %arg7[%dma_start3A, %dma_start3A_34] : memref<640x128xf32, #tpu.memory_space<vmem>> -> memref<128x128xf32, #tpu.memory_space<vmem>>
      %dma_start3A_36 = arith.constant 0 : i32
      %dma_start3A_37 = tpu.memref_slice %arg6[%run_scoped3A_16, %dma_start3A_36] : memref<25x128xi32, #tpu.memory_space<vmem>> -> memref<1x128xi32, #tpu.memory_space<vmem>>
      %dma_start3A_38 = tpu.memref_squeeze %dma_start3A_37 : memref<1x128xi32, #tpu.memory_space<vmem>> -> memref<128xi32, #tpu.memory_space<vmem>>
      %dma_start3A_39 = arith.constant 0 : i32
      %dma_start3A_40 = arith.constant 0 : i32
      %dma_start3A_41 = tpu.memref_slice %arg8[%dma_start3A_39, %dma_start3A_40] : memref<512x128xf32, #tpu.memory_space<vmem_shared>> -> memref<512x128xf32, #tpu.memory_space<vmem_shared>>
      tpu.enqueue_indirect_dma source(%dma_start3A_35 : memref<128x128xf32, #tpu.memory_space<vmem>>) target(%dma_start3A_41 : memref<512x128xf32, #tpu.memory_space<vmem_shared>>) offsets(%dma_start3A_38 : memref<128xi32, #tpu.memory_space<vmem>>) semaphore(%run_scoped3A_33 : memref<!tpu.dma_semaphore, #tpu.memory_space<semaphore_mem>>) {add = true}
      %dma_wait3A = arith.constant 512 : i32
      %dma_wait3A_42 = arith.constant 0 : i32
      %dma_wait3A_43 = tpu.memref_slice %arg7[%dma_wait3A, %dma_wait3A_42] : memref<640x128xf32, #tpu.memory_space<vmem>> -> memref<128x128xf32, #tpu.memory_space<vmem>>
      %dma_wait3A_44 = arith.constant 0 : i32
      %dma_wait3A_45 = tpu.memref_slice %arg6[%run_scoped3A_16, %dma_wait3A_44] : memref<25x128xi32, #tpu.memory_space<vmem>> -> memref<1x128xi32, #tpu.memory_space<vmem>>
      %dma_wait3A_46 = tpu.memref_squeeze %dma_wait3A_45 : memref<1x128xi32, #tpu.memory_space<vmem>> -> memref<128xi32, #tpu.memory_space<vmem>>
      %dma_wait3A_47 = arith.constant 0 : i32
      %dma_wait3A_48 = arith.constant 0 : i32
      %dma_wait3A_49 = tpu.memref_slice %arg8[%dma_wait3A_47, %dma_wait3A_48] : memref<512x128xf32, #tpu.memory_space<vmem_shared>> -> memref<512x128xf32, #tpu.memory_space<vmem_shared>>
      tpu.wait_indirect_dma semaphore(%run_scoped3A_33 : memref<!tpu.dma_semaphore, #tpu.memory_space<semaphore_mem>>) src(%dma_wait3A_43 : memref<128x128xf32, #tpu.memory_space<vmem>>) dst(%dma_wait3A_49 : memref<512x128xf32, #tpu.memory_space<vmem_shared>>)
      tpu.yield
    }) : () -> ()
    "tpu.region"() ({
      %run_scoped3A_33 = tpu.sem_alloc : memref<!tpu.dma_semaphore, #tpu.memory_space<semaphore_mem>>
      %dma_start3A = arith.constant 1920 : i32
      %dma_start3A_34 = arith.constant 0 : i32
      %dma_start3A_35 = tpu.memref_slice %arg2[%add3A, %dma_start3A, %dma_start3A_34] : memref<32x3200x128xf32, #tpu.memory_space<hbm>> -> memref<1x640x128xf32, #tpu.memory_space<hbm>>
      %dma_start3A_36 = tpu.memref_squeeze %dma_start3A_35 : memref<1x640x128xf32, #tpu.memory_space<hbm>> -> memref<640x128xf32, #tpu.memory_space<hbm>>
      %dma_start3A_37 = arith.constant 1920 : i32
      %dma_start3A_38 = arith.constant 0 : i32
      %dma_start3A_39 = tpu.memref_slice %arg2[%add3A, %dma_start3A_37, %dma_start3A_38] : memref<32x3200x128xf32, #tpu.memory_space<hbm>> -> memref<1x640x128xf32, #tpu.memory_space<hbm>>
      %dma_start3A_40 = tpu.memref_squeeze %dma_start3A_39 : memref<1x640x128xf32, #tpu.memory_space<hbm>> -> memref<640x128xf32, #tpu.memory_space<hbm>>
      tpu.enqueue_dma source(%dma_start3A_40 : memref<640x128xf32, #tpu.memory_space<hbm>>) target(%arg7 : memref<640x128xf32, #tpu.memory_space<vmem>>) target_semaphore(%run_scoped3A_33 : memref<!tpu.dma_semaphore, #tpu.memory_space<semaphore_mem>>)
      %dma_wait3A = arith.constant 1920 : i32
      %dma_wait3A_41 = arith.constant 0 : i32
      %dma_wait3A_42 = tpu.memref_slice %arg2[%add3A, %dma_wait3A, %dma_wait3A_41] : memref<32x3200x128xf32, #tpu.memory_space<hbm>> -> memref<1x640x128xf32, #tpu.memory_space<hbm>>
      %dma_wait3A_43 = tpu.memref_squeeze %dma_wait3A_42 : memref<1x640x128xf32, #tpu.memory_space<hbm>> -> memref<640x128xf32, #tpu.memory_space<hbm>>
      %dma_wait3A_44 = arith.constant 1920 : i32
      %dma_wait3A_45 = arith.constant 0 : i32
      %dma_wait3A_46 = tpu.memref_slice %arg2[%add3A, %dma_wait3A_44, %dma_wait3A_45] : memref<32x3200x128xf32, #tpu.memory_space<hbm>> -> memref<1x640x128xf32, #tpu.memory_space<hbm>>
      %dma_wait3A_47 = tpu.memref_squeeze %dma_wait3A_46 : memref<1x640x128xf32, #tpu.memory_space<hbm>> -> memref<640x128xf32, #tpu.memory_space<hbm>>
      tpu.wait_dma2 semaphore(%run_scoped3A_33 : memref<!tpu.dma_semaphore, #tpu.memory_space<semaphore_mem>>) src(%dma_wait3A_47 : memref<640x128xf32, #tpu.memory_space<hbm>>) dst(%arg7 : memref<640x128xf32, #tpu.memory_space<vmem>>)
      tpu.yield
    }) : () -> ()
    %run_scoped3A_17 = arith.constant 15 : i32
    "tpu.region"() ({
      %run_scoped3A_33 = tpu.sem_alloc : memref<!tpu.dma_semaphore, #tpu.memory_space<semaphore_mem>>
      %dma_start3A = arith.constant 0 : i32
      %dma_start3A_34 = arith.constant 0 : i32
      %dma_start3A_35 = tpu.memref_slice %arg7[%dma_start3A, %dma_start3A_34] : memref<640x128xf32, #tpu.memory_space<vmem>> -> memref<128x128xf32, #tpu.memory_space<vmem>>
      %dma_start3A_36 = arith.constant 0 : i32
      %dma_start3A_37 = tpu.memref_slice %arg6[%run_scoped3A_17, %dma_start3A_36] : memref<25x128xi32, #tpu.memory_space<vmem>> -> memref<1x128xi32, #tpu.memory_space<vmem>>
      %dma_start3A_38 = tpu.memref_squeeze %dma_start3A_37 : memref<1x128xi32, #tpu.memory_space<vmem>> -> memref<128xi32, #tpu.memory_space<vmem>>
      %dma_start3A_39 = arith.constant 0 : i32
      %dma_start3A_40 = arith.constant 0 : i32
      %dma_start3A_41 = tpu.memref_slice %arg8[%dma_start3A_39, %dma_start3A_40] : memref<512x128xf32, #tpu.memory_space<vmem_shared>> -> memref<512x128xf32, #tpu.memory_space<vmem_shared>>
      tpu.enqueue_indirect_dma source(%dma_start3A_35 : memref<128x128xf32, #tpu.memory_space<vmem>>) target(%dma_start3A_41 : memref<512x128xf32, #tpu.memory_space<vmem_shared>>) offsets(%dma_start3A_38 : memref<128xi32, #tpu.memory_space<vmem>>) semaphore(%run_scoped3A_33 : memref<!tpu.dma_semaphore, #tpu.memory_space<semaphore_mem>>) {add = true}
      %dma_wait3A = arith.constant 0 : i32
      %dma_wait3A_42 = arith.constant 0 : i32
      %dma_wait3A_43 = tpu.memref_slice %arg7[%dma_wait3A, %dma_wait3A_42] : memref<640x128xf32, #tpu.memory_space<vmem>> -> memref<128x128xf32, #tpu.memory_space<vmem>>
      %dma_wait3A_44 = arith.constant 0 : i32
      %dma_wait3A_45 = tpu.memref_slice %arg6[%run_scoped3A_17, %dma_wait3A_44] : memref<25x128xi32, #tpu.memory_space<vmem>> -> memref<1x128xi32, #tpu.memory_space<vmem>>
      %dma_wait3A_46 = tpu.memref_squeeze %dma_wait3A_45 : memref<1x128xi32, #tpu.memory_space<vmem>> -> memref<128xi32, #tpu.memory_space<vmem>>
      %dma_wait3A_47 = arith.constant 0 : i32
      %dma_wait3A_48 = arith.constant 0 : i32
      %dma_wait3A_49 = tpu.memref_slice %arg8[%dma_wait3A_47, %dma_wait3A_48] : memref<512x128xf32, #tpu.memory_space<vmem_shared>> -> memref<512x128xf32, #tpu.memory_space<vmem_shared>>
      tpu.wait_indirect_dma semaphore(%run_scoped3A_33 : memref<!tpu.dma_semaphore, #tpu.memory_space<semaphore_mem>>) src(%dma_wait3A_43 : memref<128x128xf32, #tpu.memory_space<vmem>>) dst(%dma_wait3A_49 : memref<512x128xf32, #tpu.memory_space<vmem_shared>>)
      tpu.yield
    }) : () -> ()
    %run_scoped3A_18 = arith.constant 16 : i32
    "tpu.region"() ({
      %run_scoped3A_33 = tpu.sem_alloc : memref<!tpu.dma_semaphore, #tpu.memory_space<semaphore_mem>>
      %dma_start3A = arith.constant 128 : i32
      %dma_start3A_34 = arith.constant 0 : i32
      %dma_start3A_35 = tpu.memref_slice %arg7[%dma_start3A, %dma_start3A_34] : memref<640x128xf32, #tpu.memory_space<vmem>> -> memref<128x128xf32, #tpu.memory_space<vmem>>
      %dma_start3A_36 = arith.constant 0 : i32
      %dma_start3A_37 = tpu.memref_slice %arg6[%run_scoped3A_18, %dma_start3A_36] : memref<25x128xi32, #tpu.memory_space<vmem>> -> memref<1x128xi32, #tpu.memory_space<vmem>>
      %dma_start3A_38 = tpu.memref_squeeze %dma_start3A_37 : memref<1x128xi32, #tpu.memory_space<vmem>> -> memref<128xi32, #tpu.memory_space<vmem>>
      %dma_start3A_39 = arith.constant 0 : i32
      %dma_start3A_40 = arith.constant 0 : i32
      %dma_start3A_41 = tpu.memref_slice %arg8[%dma_start3A_39, %dma_start3A_40] : memref<512x128xf32, #tpu.memory_space<vmem_shared>> -> memref<512x128xf32, #tpu.memory_space<vmem_shared>>
      tpu.enqueue_indirect_dma source(%dma_start3A_35 : memref<128x128xf32, #tpu.memory_space<vmem>>) target(%dma_start3A_41 : memref<512x128xf32, #tpu.memory_space<vmem_shared>>) offsets(%dma_start3A_38 : memref<128xi32, #tpu.memory_space<vmem>>) semaphore(%run_scoped3A_33 : memref<!tpu.dma_semaphore, #tpu.memory_space<semaphore_mem>>) {add = true}
      %dma_wait3A = arith.constant 128 : i32
      %dma_wait3A_42 = arith.constant 0 : i32
      %dma_wait3A_43 = tpu.memref_slice %arg7[%dma_wait3A, %dma_wait3A_42] : memref<640x128xf32, #tpu.memory_space<vmem>> -> memref<128x128xf32, #tpu.memory_space<vmem>>
      %dma_wait3A_44 = arith.constant 0 : i32
      %dma_wait3A_45 = tpu.memref_slice %arg6[%run_scoped3A_18, %dma_wait3A_44] : memref<25x128xi32, #tpu.memory_space<vmem>> -> memref<1x128xi32, #tpu.memory_space<vmem>>
      %dma_wait3A_46 = tpu.memref_squeeze %dma_wait3A_45 : memref<1x128xi32, #tpu.memory_space<vmem>> -> memref<128xi32, #tpu.memory_space<vmem>>
      %dma_wait3A_47 = arith.constant 0 : i32
      %dma_wait3A_48 = arith.constant 0 : i32
      %dma_wait3A_49 = tpu.memref_slice %arg8[%dma_wait3A_47, %dma_wait3A_48] : memref<512x128xf32, #tpu.memory_space<vmem_shared>> -> memref<512x128xf32, #tpu.memory_space<vmem_shared>>
      tpu.wait_indirect_dma semaphore(%run_scoped3A_33 : memref<!tpu.dma_semaphore, #tpu.memory_space<semaphore_mem>>) src(%dma_wait3A_43 : memref<128x128xf32, #tpu.memory_space<vmem>>) dst(%dma_wait3A_49 : memref<512x128xf32, #tpu.memory_space<vmem_shared>>)
      tpu.yield
    }) : () -> ()
    %run_scoped3A_19 = arith.constant 17 : i32
    "tpu.region"() ({
      %run_scoped3A_33 = tpu.sem_alloc : memref<!tpu.dma_semaphore, #tpu.memory_space<semaphore_mem>>
      %dma_start3A = arith.constant 256 : i32
      %dma_start3A_34 = arith.constant 0 : i32
      %dma_start3A_35 = tpu.memref_slice %arg7[%dma_start3A, %dma_start3A_34] : memref<640x128xf32, #tpu.memory_space<vmem>> -> memref<128x128xf32, #tpu.memory_space<vmem>>
      %dma_start3A_36 = arith.constant 0 : i32
      %dma_start3A_37 = tpu.memref_slice %arg6[%run_scoped3A_19, %dma_start3A_36] : memref<25x128xi32, #tpu.memory_space<vmem>> -> memref<1x128xi32, #tpu.memory_space<vmem>>
      %dma_start3A_38 = tpu.memref_squeeze %dma_start3A_37 : memref<1x128xi32, #tpu.memory_space<vmem>> -> memref<128xi32, #tpu.memory_space<vmem>>
      %dma_start3A_39 = arith.constant 0 : i32
      %dma_start3A_40 = arith.constant 0 : i32
      %dma_start3A_41 = tpu.memref_slice %arg8[%dma_start3A_39, %dma_start3A_40] : memref<512x128xf32, #tpu.memory_space<vmem_shared>> -> memref<512x128xf32, #tpu.memory_space<vmem_shared>>
      tpu.enqueue_indirect_dma source(%dma_start3A_35 : memref<128x128xf32, #tpu.memory_space<vmem>>) target(%dma_start3A_41 : memref<512x128xf32, #tpu.memory_space<vmem_shared>>) offsets(%dma_start3A_38 : memref<128xi32, #tpu.memory_space<vmem>>) semaphore(%run_scoped3A_33 : memref<!tpu.dma_semaphore, #tpu.memory_space<semaphore_mem>>) {add = true}
      %dma_wait3A = arith.constant 256 : i32
      %dma_wait3A_42 = arith.constant 0 : i32
      %dma_wait3A_43 = tpu.memref_slice %arg7[%dma_wait3A, %dma_wait3A_42] : memref<640x128xf32, #tpu.memory_space<vmem>> -> memref<128x128xf32, #tpu.memory_space<vmem>>
      %dma_wait3A_44 = arith.constant 0 : i32
      %dma_wait3A_45 = tpu.memref_slice %arg6[%run_scoped3A_19, %dma_wait3A_44] : memref<25x128xi32, #tpu.memory_space<vmem>> -> memref<1x128xi32, #tpu.memory_space<vmem>>
      %dma_wait3A_46 = tpu.memref_squeeze %dma_wait3A_45 : memref<1x128xi32, #tpu.memory_space<vmem>> -> memref<128xi32, #tpu.memory_space<vmem>>
      %dma_wait3A_47 = arith.constant 0 : i32
      %dma_wait3A_48 = arith.constant 0 : i32
      %dma_wait3A_49 = tpu.memref_slice %arg8[%dma_wait3A_47, %dma_wait3A_48] : memref<512x128xf32, #tpu.memory_space<vmem_shared>> -> memref<512x128xf32, #tpu.memory_space<vmem_shared>>
      tpu.wait_indirect_dma semaphore(%run_scoped3A_33 : memref<!tpu.dma_semaphore, #tpu.memory_space<semaphore_mem>>) src(%dma_wait3A_43 : memref<128x128xf32, #tpu.memory_space<vmem>>) dst(%dma_wait3A_49 : memref<512x128xf32, #tpu.memory_space<vmem_shared>>)
      tpu.yield
    }) : () -> ()
    %run_scoped3A_20 = arith.constant 18 : i32
    "tpu.region"() ({
      %run_scoped3A_33 = tpu.sem_alloc : memref<!tpu.dma_semaphore, #tpu.memory_space<semaphore_mem>>
      %dma_start3A = arith.constant 384 : i32
      %dma_start3A_34 = arith.constant 0 : i32
      %dma_start3A_35 = tpu.memref_slice %arg7[%dma_start3A, %dma_start3A_34] : memref<640x128xf32, #tpu.memory_space<vmem>> -> memref<128x128xf32, #tpu.memory_space<vmem>>
      %dma_start3A_36 = arith.constant 0 : i32
      %dma_start3A_37 = tpu.memref_slice %arg6[%run_scoped3A_20, %dma_start3A_36] : memref<25x128xi32, #tpu.memory_space<vmem>> -> memref<1x128xi32, #tpu.memory_space<vmem>>
      %dma_start3A_38 = tpu.memref_squeeze %dma_start3A_37 : memref<1x128xi32, #tpu.memory_space<vmem>> -> memref<128xi32, #tpu.memory_space<vmem>>
      %dma_start3A_39 = arith.constant 0 : i32
      %dma_start3A_40 = arith.constant 0 : i32
      %dma_start3A_41 = tpu.memref_slice %arg8[%dma_start3A_39, %dma_start3A_40] : memref<512x128xf32, #tpu.memory_space<vmem_shared>> -> memref<512x128xf32, #tpu.memory_space<vmem_shared>>
      tpu.enqueue_indirect_dma source(%dma_start3A_35 : memref<128x128xf32, #tpu.memory_space<vmem>>) target(%dma_start3A_41 : memref<512x128xf32, #tpu.memory_space<vmem_shared>>) offsets(%dma_start3A_38 : memref<128xi32, #tpu.memory_space<vmem>>) semaphore(%run_scoped3A_33 : memref<!tpu.dma_semaphore, #tpu.memory_space<semaphore_mem>>) {add = true}
      %dma_wait3A = arith.constant 384 : i32
      %dma_wait3A_42 = arith.constant 0 : i32
      %dma_wait3A_43 = tpu.memref_slice %arg7[%dma_wait3A, %dma_wait3A_42] : memref<640x128xf32, #tpu.memory_space<vmem>> -> memref<128x128xf32, #tpu.memory_space<vmem>>
      %dma_wait3A_44 = arith.constant 0 : i32
      %dma_wait3A_45 = tpu.memref_slice %arg6[%run_scoped3A_20, %dma_wait3A_44] : memref<25x128xi32, #tpu.memory_space<vmem>> -> memref<1x128xi32, #tpu.memory_space<vmem>>
      %dma_wait3A_46 = tpu.memref_squeeze %dma_wait3A_45 : memref<1x128xi32, #tpu.memory_space<vmem>> -> memref<128xi32, #tpu.memory_space<vmem>>
      %dma_wait3A_47 = arith.constant 0 : i32
      %dma_wait3A_48 = arith.constant 0 : i32
      %dma_wait3A_49 = tpu.memref_slice %arg8[%dma_wait3A_47, %dma_wait3A_48] : memref<512x128xf32, #tpu.memory_space<vmem_shared>> -> memref<512x128xf32, #tpu.memory_space<vmem_shared>>
      tpu.wait_indirect_dma semaphore(%run_scoped3A_33 : memref<!tpu.dma_semaphore, #tpu.memory_space<semaphore_mem>>) src(%dma_wait3A_43 : memref<128x128xf32, #tpu.memory_space<vmem>>) dst(%dma_wait3A_49 : memref<512x128xf32, #tpu.memory_space<vmem_shared>>)
      tpu.yield
    }) : () -> ()
    %run_scoped3A_21 = arith.constant 19 : i32
    "tpu.region"() ({
      %run_scoped3A_33 = tpu.sem_alloc : memref<!tpu.dma_semaphore, #tpu.memory_space<semaphore_mem>>
      %dma_start3A = arith.constant 512 : i32
      %dma_start3A_34 = arith.constant 0 : i32
      %dma_start3A_35 = tpu.memref_slice %arg7[%dma_start3A, %dma_start3A_34] : memref<640x128xf32, #tpu.memory_space<vmem>> -> memref<128x128xf32, #tpu.memory_space<vmem>>
      %dma_start3A_36 = arith.constant 0 : i32
      %dma_start3A_37 = tpu.memref_slice %arg6[%run_scoped3A_21, %dma_start3A_36] : memref<25x128xi32, #tpu.memory_space<vmem>> -> memref<1x128xi32, #tpu.memory_space<vmem>>
      %dma_start3A_38 = tpu.memref_squeeze %dma_start3A_37 : memref<1x128xi32, #tpu.memory_space<vmem>> -> memref<128xi32, #tpu.memory_space<vmem>>
      %dma_start3A_39 = arith.constant 0 : i32
      %dma_start3A_40 = arith.constant 0 : i32
      %dma_start3A_41 = tpu.memref_slice %arg8[%dma_start3A_39, %dma_start3A_40] : memref<512x128xf32, #tpu.memory_space<vmem_shared>> -> memref<512x128xf32, #tpu.memory_space<vmem_shared>>
      tpu.enqueue_indirect_dma source(%dma_start3A_35 : memref<128x128xf32, #tpu.memory_space<vmem>>) target(%dma_start3A_41 : memref<512x128xf32, #tpu.memory_space<vmem_shared>>) offsets(%dma_start3A_38 : memref<128xi32, #tpu.memory_space<vmem>>) semaphore(%run_scoped3A_33 : memref<!tpu.dma_semaphore, #tpu.memory_space<semaphore_mem>>) {add = true}
      %dma_wait3A = arith.constant 512 : i32
      %dma_wait3A_42 = arith.constant 0 : i32
      %dma_wait3A_43 = tpu.memref_slice %arg7[%dma_wait3A, %dma_wait3A_42] : memref<640x128xf32, #tpu.memory_space<vmem>> -> memref<128x128xf32, #tpu.memory_space<vmem>>
      %dma_wait3A_44 = arith.constant 0 : i32
      %dma_wait3A_45 = tpu.memref_slice %arg6[%run_scoped3A_21, %dma_wait3A_44] : memref<25x128xi32, #tpu.memory_space<vmem>> -> memref<1x128xi32, #tpu.memory_space<vmem>>
      %dma_wait3A_46 = tpu.memref_squeeze %dma_wait3A_45 : memref<1x128xi32, #tpu.memory_space<vmem>> -> memref<128xi32, #tpu.memory_space<vmem>>
      %dma_wait3A_47 = arith.constant 0 : i32
      %dma_wait3A_48 = arith.constant 0 : i32
      %dma_wait3A_49 = tpu.memref_slice %arg8[%dma_wait3A_47, %dma_wait3A_48] : memref<512x128xf32, #tpu.memory_space<vmem_shared>> -> memref<512x128xf32, #tpu.memory_space<vmem_shared>>
      tpu.wait_indirect_dma semaphore(%run_scoped3A_33 : memref<!tpu.dma_semaphore, #tpu.memory_space<semaphore_mem>>) src(%dma_wait3A_43 : memref<128x128xf32, #tpu.memory_space<vmem>>) dst(%dma_wait3A_49 : memref<512x128xf32, #tpu.memory_space<vmem_shared>>)
      tpu.yield
    }) : () -> ()
    "tpu.region"() ({
      %run_scoped3A_33 = tpu.sem_alloc : memref<!tpu.dma_semaphore, #tpu.memory_space<semaphore_mem>>
      %dma_start3A = arith.constant 2560 : i32
      %dma_start3A_34 = arith.constant 0 : i32
      %dma_start3A_35 = tpu.memref_slice %arg2[%add3A, %dma_start3A, %dma_start3A_34] : memref<32x3200x128xf32, #tpu.memory_space<hbm>> -> memref<1x640x128xf32, #tpu.memory_space<hbm>>
      %dma_start3A_36 = tpu.memref_squeeze %dma_start3A_35 : memref<1x640x128xf32, #tpu.memory_space<hbm>> -> memref<640x128xf32, #tpu.memory_space<hbm>>
      %dma_start3A_37 = arith.constant 2560 : i32
      %dma_start3A_38 = arith.constant 0 : i32
      %dma_start3A_39 = tpu.memref_slice %arg2[%add3A, %dma_start3A_37, %dma_start3A_38] : memref<32x3200x128xf32, #tpu.memory_space<hbm>> -> memref<1x640x128xf32, #tpu.memory_space<hbm>>
      %dma_start3A_40 = tpu.memref_squeeze %dma_start3A_39 : memref<1x640x128xf32, #tpu.memory_space<hbm>> -> memref<640x128xf32, #tpu.memory_space<hbm>>
      tpu.enqueue_dma source(%dma_start3A_40 : memref<640x128xf32, #tpu.memory_space<hbm>>) target(%arg7 : memref<640x128xf32, #tpu.memory_space<vmem>>) target_semaphore(%run_scoped3A_33 : memref<!tpu.dma_semaphore, #tpu.memory_space<semaphore_mem>>)
      %dma_wait3A = arith.constant 2560 : i32
      %dma_wait3A_41 = arith.constant 0 : i32
      %dma_wait3A_42 = tpu.memref_slice %arg2[%add3A, %dma_wait3A, %dma_wait3A_41] : memref<32x3200x128xf32, #tpu.memory_space<hbm>> -> memref<1x640x128xf32, #tpu.memory_space<hbm>>
      %dma_wait3A_43 = tpu.memref_squeeze %dma_wait3A_42 : memref<1x640x128xf32, #tpu.memory_space<hbm>> -> memref<640x128xf32, #tpu.memory_space<hbm>>
      %dma_wait3A_44 = arith.constant 2560 : i32
      %dma_wait3A_45 = arith.constant 0 : i32
      %dma_wait3A_46 = tpu.memref_slice %arg2[%add3A, %dma_wait3A_44, %dma_wait3A_45] : memref<32x3200x128xf32, #tpu.memory_space<hbm>> -> memref<1x640x128xf32, #tpu.memory_space<hbm>>
      %dma_wait3A_47 = tpu.memref_squeeze %dma_wait3A_46 : memref<1x640x128xf32, #tpu.memory_space<hbm>> -> memref<640x128xf32, #tpu.memory_space<hbm>>
      tpu.wait_dma2 semaphore(%run_scoped3A_33 : memref<!tpu.dma_semaphore, #tpu.memory_space<semaphore_mem>>) src(%dma_wait3A_47 : memref<640x128xf32, #tpu.memory_space<hbm>>) dst(%arg7 : memref<640x128xf32, #tpu.memory_space<vmem>>)
      tpu.yield
    }) : () -> ()
    %run_scoped3A_22 = arith.constant 20 : i32
    "tpu.region"() ({
      %run_scoped3A_33 = tpu.sem_alloc : memref<!tpu.dma_semaphore, #tpu.memory_space<semaphore_mem>>
      %dma_start3A = arith.constant 0 : i32
      %dma_start3A_34 = arith.constant 0 : i32
      %dma_start3A_35 = tpu.memref_slice %arg7[%dma_start3A, %dma_start3A_34] : memref<640x128xf32, #tpu.memory_space<vmem>> -> memref<128x128xf32, #tpu.memory_space<vmem>>
      %dma_start3A_36 = arith.constant 0 : i32
      %dma_start3A_37 = tpu.memref_slice %arg6[%run_scoped3A_22, %dma_start3A_36] : memref<25x128xi32, #tpu.memory_space<vmem>> -> memref<1x128xi32, #tpu.memory_space<vmem>>
      %dma_start3A_38 = tpu.memref_squeeze %dma_start3A_37 : memref<1x128xi32, #tpu.memory_space<vmem>> -> memref<128xi32, #tpu.memory_space<vmem>>
      %dma_start3A_39 = arith.constant 0 : i32
      %dma_start3A_40 = arith.constant 0 : i32
      %dma_start3A_41 = tpu.memref_slice %arg8[%dma_start3A_39, %dma_start3A_40] : memref<512x128xf32, #tpu.memory_space<vmem_shared>> -> memref<512x128xf32, #tpu.memory_space<vmem_shared>>
      tpu.enqueue_indirect_dma source(%dma_start3A_35 : memref<128x128xf32, #tpu.memory_space<vmem>>) target(%dma_start3A_41 : memref<512x128xf32, #tpu.memory_space<vmem_shared>>) offsets(%dma_start3A_38 : memref<128xi32, #tpu.memory_space<vmem>>) semaphore(%run_scoped3A_33 : memref<!tpu.dma_semaphore, #tpu.memory_space<semaphore_mem>>) {add = true}
      %dma_wait3A = arith.constant 0 : i32
      %dma_wait3A_42 = arith.constant 0 : i32
      %dma_wait3A_43 = tpu.memref_slice %arg7[%dma_wait3A, %dma_wait3A_42] : memref<640x128xf32, #tpu.memory_space<vmem>> -> memref<128x128xf32, #tpu.memory_space<vmem>>
      %dma_wait3A_44 = arith.constant 0 : i32
      %dma_wait3A_45 = tpu.memref_slice %arg6[%run_scoped3A_22, %dma_wait3A_44] : memref<25x128xi32, #tpu.memory_space<vmem>> -> memref<1x128xi32, #tpu.memory_space<vmem>>
      %dma_wait3A_46 = tpu.memref_squeeze %dma_wait3A_45 : memref<1x128xi32, #tpu.memory_space<vmem>> -> memref<128xi32, #tpu.memory_space<vmem>>
      %dma_wait3A_47 = arith.constant 0 : i32
      %dma_wait3A_48 = arith.constant 0 : i32
      %dma_wait3A_49 = tpu.memref_slice %arg8[%dma_wait3A_47, %dma_wait3A_48] : memref<512x128xf32, #tpu.memory_space<vmem_shared>> -> memref<512x128xf32, #tpu.memory_space<vmem_shared>>
      tpu.wait_indirect_dma semaphore(%run_scoped3A_33 : memref<!tpu.dma_semaphore, #tpu.memory_space<semaphore_mem>>) src(%dma_wait3A_43 : memref<128x128xf32, #tpu.memory_space<vmem>>) dst(%dma_wait3A_49 : memref<512x128xf32, #tpu.memory_space<vmem_shared>>)
      tpu.yield
    }) : () -> ()
    %run_scoped3A_23 = arith.constant 21 : i32
    "tpu.region"() ({
      %run_scoped3A_33 = tpu.sem_alloc : memref<!tpu.dma_semaphore, #tpu.memory_space<semaphore_mem>>
      %dma_start3A = arith.constant 128 : i32
      %dma_start3A_34 = arith.constant 0 : i32
      %dma_start3A_35 = tpu.memref_slice %arg7[%dma_start3A, %dma_start3A_34] : memref<640x128xf32, #tpu.memory_space<vmem>> -> memref<128x128xf32, #tpu.memory_space<vmem>>
      %dma_start3A_36 = arith.constant 0 : i32
      %dma_start3A_37 = tpu.memref_slice %arg6[%run_scoped3A_23, %dma_start3A_36] : memref<25x128xi32, #tpu.memory_space<vmem>> -> memref<1x128xi32, #tpu.memory_space<vmem>>
      %dma_start3A_38 = tpu.memref_squeeze %dma_start3A_37 : memref<1x128xi32, #tpu.memory_space<vmem>> -> memref<128xi32, #tpu.memory_space<vmem>>
      %dma_start3A_39 = arith.constant 0 : i32
      %dma_start3A_40 = arith.constant 0 : i32
      %dma_start3A_41 = tpu.memref_slice %arg8[%dma_start3A_39, %dma_start3A_40] : memref<512x128xf32, #tpu.memory_space<vmem_shared>> -> memref<512x128xf32, #tpu.memory_space<vmem_shared>>
      tpu.enqueue_indirect_dma source(%dma_start3A_35 : memref<128x128xf32, #tpu.memory_space<vmem>>) target(%dma_start3A_41 : memref<512x128xf32, #tpu.memory_space<vmem_shared>>) offsets(%dma_start3A_38 : memref<128xi32, #tpu.memory_space<vmem>>) semaphore(%run_scoped3A_33 : memref<!tpu.dma_semaphore, #tpu.memory_space<semaphore_mem>>) {add = true}
      %dma_wait3A = arith.constant 128 : i32
      %dma_wait3A_42 = arith.constant 0 : i32
      %dma_wait3A_43 = tpu.memref_slice %arg7[%dma_wait3A, %dma_wait3A_42] : memref<640x128xf32, #tpu.memory_space<vmem>> -> memref<128x128xf32, #tpu.memory_space<vmem>>
      %dma_wait3A_44 = arith.constant 0 : i32
      %dma_wait3A_45 = tpu.memref_slice %arg6[%run_scoped3A_23, %dma_wait3A_44] : memref<25x128xi32, #tpu.memory_space<vmem>> -> memref<1x128xi32, #tpu.memory_space<vmem>>
      %dma_wait3A_46 = tpu.memref_squeeze %dma_wait3A_45 : memref<1x128xi32, #tpu.memory_space<vmem>> -> memref<128xi32, #tpu.memory_space<vmem>>
      %dma_wait3A_47 = arith.constant 0 : i32
      %dma_wait3A_48 = arith.constant 0 : i32
      %dma_wait3A_49 = tpu.memref_slice %arg8[%dma_wait3A_47, %dma_wait3A_48] : memref<512x128xf32, #tpu.memory_space<vmem_shared>> -> memref<512x128xf32, #tpu.memory_space<vmem_shared>>
      tpu.wait_indirect_dma semaphore(%run_scoped3A_33 : memref<!tpu.dma_semaphore, #tpu.memory_space<semaphore_mem>>) src(%dma_wait3A_43 : memref<128x128xf32, #tpu.memory_space<vmem>>) dst(%dma_wait3A_49 : memref<512x128xf32, #tpu.memory_space<vmem_shared>>)
      tpu.yield
    }) : () -> ()
    %run_scoped3A_24 = arith.constant 22 : i32
    "tpu.region"() ({
      %run_scoped3A_33 = tpu.sem_alloc : memref<!tpu.dma_semaphore, #tpu.memory_space<semaphore_mem>>
      %dma_start3A = arith.constant 256 : i32
      %dma_start3A_34 = arith.constant 0 : i32
      %dma_start3A_35 = tpu.memref_slice %arg7[%dma_start3A, %dma_start3A_34] : memref<640x128xf32, #tpu.memory_space<vmem>> -> memref<128x128xf32, #tpu.memory_space<vmem>>
      %dma_start3A_36 = arith.constant 0 : i32
      %dma_start3A_37 = tpu.memref_slice %arg6[%run_scoped3A_24, %dma_start3A_36] : memref<25x128xi32, #tpu.memory_space<vmem>> -> memref<1x128xi32, #tpu.memory_space<vmem>>
      %dma_start3A_38 = tpu.memref_squeeze %dma_start3A_37 : memref<1x128xi32, #tpu.memory_space<vmem>> -> memref<128xi32, #tpu.memory_space<vmem>>
      %dma_start3A_39 = arith.constant 0 : i32
      %dma_start3A_40 = arith.constant 0 : i32
      %dma_start3A_41 = tpu.memref_slice %arg8[%dma_start3A_39, %dma_start3A_40] : memref<512x128xf32, #tpu.memory_space<vmem_shared>> -> memref<512x128xf32, #tpu.memory_space<vmem_shared>>
      tpu.enqueue_indirect_dma source(%dma_start3A_35 : memref<128x128xf32, #tpu.memory_space<vmem>>) target(%dma_start3A_41 : memref<512x128xf32, #tpu.memory_space<vmem_shared>>) offsets(%dma_start3A_38 : memref<128xi32, #tpu.memory_space<vmem>>) semaphore(%run_scoped3A_33 : memref<!tpu.dma_semaphore, #tpu.memory_space<semaphore_mem>>) {add = true}
      %dma_wait3A = arith.constant 256 : i32
      %dma_wait3A_42 = arith.constant 0 : i32
      %dma_wait3A_43 = tpu.memref_slice %arg7[%dma_wait3A, %dma_wait3A_42] : memref<640x128xf32, #tpu.memory_space<vmem>> -> memref<128x128xf32, #tpu.memory_space<vmem>>
      %dma_wait3A_44 = arith.constant 0 : i32
      %dma_wait3A_45 = tpu.memref_slice %arg6[%run_scoped3A_24, %dma_wait3A_44] : memref<25x128xi32, #tpu.memory_space<vmem>> -> memref<1x128xi32, #tpu.memory_space<vmem>>
      %dma_wait3A_46 = tpu.memref_squeeze %dma_wait3A_45 : memref<1x128xi32, #tpu.memory_space<vmem>> -> memref<128xi32, #tpu.memory_space<vmem>>
      %dma_wait3A_47 = arith.constant 0 : i32
      %dma_wait3A_48 = arith.constant 0 : i32
      %dma_wait3A_49 = tpu.memref_slice %arg8[%dma_wait3A_47, %dma_wait3A_48] : memref<512x128xf32, #tpu.memory_space<vmem_shared>> -> memref<512x128xf32, #tpu.memory_space<vmem_shared>>
      tpu.wait_indirect_dma semaphore(%run_scoped3A_33 : memref<!tpu.dma_semaphore, #tpu.memory_space<semaphore_mem>>) src(%dma_wait3A_43 : memref<128x128xf32, #tpu.memory_space<vmem>>) dst(%dma_wait3A_49 : memref<512x128xf32, #tpu.memory_space<vmem_shared>>)
      tpu.yield
    }) : () -> ()
    %run_scoped3A_25 = arith.constant 23 : i32
    "tpu.region"() ({
      %run_scoped3A_33 = tpu.sem_alloc : memref<!tpu.dma_semaphore, #tpu.memory_space<semaphore_mem>>
      %dma_start3A = arith.constant 384 : i32
      %dma_start3A_34 = arith.constant 0 : i32
      %dma_start3A_35 = tpu.memref_slice %arg7[%dma_start3A, %dma_start3A_34] : memref<640x128xf32, #tpu.memory_space<vmem>> -> memref<128x128xf32, #tpu.memory_space<vmem>>
      %dma_start3A_36 = arith.constant 0 : i32
      %dma_start3A_37 = tpu.memref_slice %arg6[%run_scoped3A_25, %dma_start3A_36] : memref<25x128xi32, #tpu.memory_space<vmem>> -> memref<1x128xi32, #tpu.memory_space<vmem>>
      %dma_start3A_38 = tpu.memref_squeeze %dma_start3A_37 : memref<1x128xi32, #tpu.memory_space<vmem>> -> memref<128xi32, #tpu.memory_space<vmem>>
      %dma_start3A_39 = arith.constant 0 : i32
      %dma_start3A_40 = arith.constant 0 : i32
      %dma_start3A_41 = tpu.memref_slice %arg8[%dma_start3A_39, %dma_start3A_40] : memref<512x128xf32, #tpu.memory_space<vmem_shared>> -> memref<512x128xf32, #tpu.memory_space<vmem_shared>>
      tpu.enqueue_indirect_dma source(%dma_start3A_35 : memref<128x128xf32, #tpu.memory_space<vmem>>) target(%dma_start3A_41 : memref<512x128xf32, #tpu.memory_space<vmem_shared>>) offsets(%dma_start3A_38 : memref<128xi32, #tpu.memory_space<vmem>>) semaphore(%run_scoped3A_33 : memref<!tpu.dma_semaphore, #tpu.memory_space<semaphore_mem>>) {add = true}
      %dma_wait3A = arith.constant 384 : i32
      %dma_wait3A_42 = arith.constant 0 : i32
      %dma_wait3A_43 = tpu.memref_slice %arg7[%dma_wait3A, %dma_wait3A_42] : memref<640x128xf32, #tpu.memory_space<vmem>> -> memref<128x128xf32, #tpu.memory_space<vmem>>
      %dma_wait3A_44 = arith.constant 0 : i32
      %dma_wait3A_45 = tpu.memref_slice %arg6[%run_scoped3A_25, %dma_wait3A_44] : memref<25x128xi32, #tpu.memory_space<vmem>> -> memref<1x128xi32, #tpu.memory_space<vmem>>
      %dma_wait3A_46 = tpu.memref_squeeze %dma_wait3A_45 : memref<1x128xi32, #tpu.memory_space<vmem>> -> memref<128xi32, #tpu.memory_space<vmem>>
      %dma_wait3A_47 = arith.constant 0 : i32
      %dma_wait3A_48 = arith.constant 0 : i32
      %dma_wait3A_49 = tpu.memref_slice %arg8[%dma_wait3A_47, %dma_wait3A_48] : memref<512x128xf32, #tpu.memory_space<vmem_shared>> -> memref<512x128xf32, #tpu.memory_space<vmem_shared>>
      tpu.wait_indirect_dma semaphore(%run_scoped3A_33 : memref<!tpu.dma_semaphore, #tpu.memory_space<semaphore_mem>>) src(%dma_wait3A_43 : memref<128x128xf32, #tpu.memory_space<vmem>>) dst(%dma_wait3A_49 : memref<512x128xf32, #tpu.memory_space<vmem_shared>>)
      tpu.yield
    }) : () -> ()
    %run_scoped3A_26 = arith.constant 24 : i32
    "tpu.region"() ({
      %run_scoped3A_33 = tpu.sem_alloc : memref<!tpu.dma_semaphore, #tpu.memory_space<semaphore_mem>>
      %dma_start3A = arith.constant 512 : i32
      %dma_start3A_34 = arith.constant 0 : i32
      %dma_start3A_35 = tpu.memref_slice %arg7[%dma_start3A, %dma_start3A_34] : memref<640x128xf32, #tpu.memory_space<vmem>> -> memref<128x128xf32, #tpu.memory_space<vmem>>
      %dma_start3A_36 = arith.constant 0 : i32
      %dma_start3A_37 = tpu.memref_slice %arg6[%run_scoped3A_26, %dma_start3A_36] : memref<25x128xi32, #tpu.memory_space<vmem>> -> memref<1x128xi32, #tpu.memory_space<vmem>>
      %dma_start3A_38 = tpu.memref_squeeze %dma_start3A_37 : memref<1x128xi32, #tpu.memory_space<vmem>> -> memref<128xi32, #tpu.memory_space<vmem>>
      %dma_start3A_39 = arith.constant 0 : i32
      %dma_start3A_40 = arith.constant 0 : i32
      %dma_start3A_41 = tpu.memref_slice %arg8[%dma_start3A_39, %dma_start3A_40] : memref<512x128xf32, #tpu.memory_space<vmem_shared>> -> memref<512x128xf32, #tpu.memory_space<vmem_shared>>
      tpu.enqueue_indirect_dma source(%dma_start3A_35 : memref<128x128xf32, #tpu.memory_space<vmem>>) target(%dma_start3A_41 : memref<512x128xf32, #tpu.memory_space<vmem_shared>>) offsets(%dma_start3A_38 : memref<128xi32, #tpu.memory_space<vmem>>) semaphore(%run_scoped3A_33 : memref<!tpu.dma_semaphore, #tpu.memory_space<semaphore_mem>>) {add = true}
      %dma_wait3A = arith.constant 512 : i32
      %dma_wait3A_42 = arith.constant 0 : i32
      %dma_wait3A_43 = tpu.memref_slice %arg7[%dma_wait3A, %dma_wait3A_42] : memref<640x128xf32, #tpu.memory_space<vmem>> -> memref<128x128xf32, #tpu.memory_space<vmem>>
      %dma_wait3A_44 = arith.constant 0 : i32
      %dma_wait3A_45 = tpu.memref_slice %arg6[%run_scoped3A_26, %dma_wait3A_44] : memref<25x128xi32, #tpu.memory_space<vmem>> -> memref<1x128xi32, #tpu.memory_space<vmem>>
      %dma_wait3A_46 = tpu.memref_squeeze %dma_wait3A_45 : memref<1x128xi32, #tpu.memory_space<vmem>> -> memref<128xi32, #tpu.memory_space<vmem>>
      %dma_wait3A_47 = arith.constant 0 : i32
      %dma_wait3A_48 = arith.constant 0 : i32
      %dma_wait3A_49 = tpu.memref_slice %arg8[%dma_wait3A_47, %dma_wait3A_48] : memref<512x128xf32, #tpu.memory_space<vmem_shared>> -> memref<512x128xf32, #tpu.memory_space<vmem_shared>>
      tpu.wait_indirect_dma semaphore(%run_scoped3A_33 : memref<!tpu.dma_semaphore, #tpu.memory_space<semaphore_mem>>) src(%dma_wait3A_43 : memref<128x128xf32, #tpu.memory_space<vmem>>) dst(%dma_wait3A_49 : memref<512x128xf32, #tpu.memory_space<vmem_shared>>)
      tpu.yield
    }) : () -> ()
    %barrier3A_27 = arith.constant 0 : index
    tpu.barrier barrier_id(%barrier3A_27)
    %eq3A_28 = arith.constant 0 : i32
    %eq3A_29 = arith.cmpi eq, %arg1, %eq3A_28 : i32
    %convert_element_type3A_30 = arith.extui %eq3A_29 : i1 to i32
    %cond3A_31 = arith.constant 0 : i32
    %cond3A_32 = arith.cmpi ne, %convert_element_type3A_30, %cond3A_31 : i32
    scf.if %cond3A_32 {
      "tpu.region"() ({
        %run_scoped3A_33 = tpu.sem_alloc : memref<!tpu.dma_semaphore, #tpu.memory_space<semaphore_mem>>
        %dma_start3A = arith.constant 0 : i32
        %dma_start3A_34 = arith.constant 0 : i32
        %dma_start3A_35 = tpu.memref_slice %arg5[%arg0, %dma_start3A, %dma_start3A_34] : memref<2x512x128xf32, #tpu.memory_space<hbm>> -> memref<1x512x128xf32, #tpu.memory_space<hbm>>
        %dma_start3A_36 = tpu.memref_squeeze %dma_start3A_35 : memref<1x512x128xf32, #tpu.memory_space<hbm>> -> memref<512x128xf32, #tpu.memory_space<hbm>>
        tpu.enqueue_dma source(%arg8 : memref<512x128xf32, #tpu.memory_space<vmem_shared>>) target(%dma_start3A_36 : memref<512x128xf32, #tpu.memory_space<hbm>>) target_semaphore(%run_scoped3A_33 : memref<!tpu.dma_semaphore, #tpu.memory_space<semaphore_mem>>)
        %dma_wait3A = arith.constant 0 : i32
        %dma_wait3A_37 = arith.constant 0 : i32
        %dma_wait3A_38 = tpu.memref_slice %arg5[%arg0, %dma_wait3A, %dma_wait3A_37] : memref<2x512x128xf32, #tpu.memory_space<hbm>> -> memref<1x512x128xf32, #tpu.memory_space<hbm>>
        %dma_wait3A_39 = tpu.memref_squeeze %dma_wait3A_38 : memref<1x512x128xf32, #tpu.memory_space<hbm>> -> memref<512x128xf32, #tpu.memory_space<hbm>>
        tpu.wait_dma2 semaphore(%run_scoped3A_33 : memref<!tpu.dma_semaphore, #tpu.memory_space<semaphore_mem>>) src(%arg8 : memref<512x128xf32, #tpu.memory_space<vmem_shared>>) dst(%dma_wait3A_39 : memref<512x128xf32, #tpu.memory_space<hbm>>)
        tpu.yield
      }) : () -> ()
    } else {
    }
    return
  }
}

module attributes {stable_mosaic.version = 14 : i64} {
  func.func @_dense_body(%arg0: i32, %arg1: memref<1024x3xf32, #tpu.memory_space<vmem>>, %arg2: memref<1024x128xf32, #tpu.memory_space<vmem>>, %arg3: memref<256x3x128xf32, #tpu.memory_space<vmem>>, %arg4: memref<256x3x128xf32, #tpu.memory_space<vmem>>, %arg5: memref<256x3x128xf32, #tpu.memory_space<vmem>>, %arg6: memref<256x3x128xf32, #tpu.memory_space<vmem>>, %arg7: memref<128x128xf32, #tpu.memory_space<vmem>>, %arg8: memref<1x128xf32, #tpu.memory_space<vmem>>, %arg9: memref<128x2xf32, #tpu.memory_space<vmem>>, %arg10: memref<1x2xf32, #tpu.memory_space<vmem>>, %arg11: memref<128x3xf32, #tpu.memory_space<vmem>>, %arg12: memref<1x1xf32, #tpu.memory_space<vmem>>, %arg13: memref<1024x128xf32, #tpu.memory_space<vmem>>) attributes {dimension_semantics = [#tpu.dimension_semantics<arbitrary>], iteration_bounds = array<i64: 100>, scalar_prefetch = 0 : i64, scratch_operands = 0 : i64, tpu.core_type = #tpu.core_type<tc>, window_params = [{transform_indices = @transform_0, window_bounds = array<i64: 1024, 3>}, {transform_indices = @transform_1, window_bounds = array<i64: 1024, 128>}, {transform_indices = @transform_2, window_bounds = array<i64: 256, 3, 128>}, {transform_indices = @transform_3, window_bounds = array<i64: 256, 3, 128>}, {transform_indices = @transform_4, window_bounds = array<i64: 256, 3, 128>}, {transform_indices = @transform_5, window_bounds = array<i64: 256, 3, 128>}, {pipeline_mode = #tpu.pipeline_mode<synchronous>, transform_indices = @transform_6, window_bounds = array<i64: 128, 128>}, {pipeline_mode = #tpu.pipeline_mode<synchronous>, transform_indices = @transform_7, window_bounds = array<i64: 1, 128>}, {pipeline_mode = #tpu.pipeline_mode<synchronous>, transform_indices = @transform_8, window_bounds = array<i64: 128, 2>}, {pipeline_mode = #tpu.pipeline_mode<synchronous>, transform_indices = @transform_9, window_bounds = array<i64: 1, 2>}, {pipeline_mode = #tpu.pipeline_mode<synchronous>, transform_indices = @transform_10, window_bounds = array<i64: 128, 3>}, {pipeline_mode = #tpu.pipeline_mode<synchronous>, transform_indices = @transform_11, window_bounds = array<i64: 1, 1>}, {transform_indices = @transform_12, window_bounds = array<i64: 1024, 128>}]} {
    %get3A = arith.constant 0 : index
    %get3A_0 = arith.constant 0 : index
    %get3A_1 = vector.load %arg2[%get3A, %get3A_0] : memref<1024x128xf32, #tpu.memory_space<vmem>>, vector<1024x128xf32>
    %get3A_2 = arith.constant 0 : index
    %get3A_3 = arith.constant 0 : index
    %get3A_4 = vector.load %arg7[%get3A_2, %get3A_3] : memref<128x128xf32, #tpu.memory_space<vmem>>, vector<128x128xf32>
    %dot_general3A = arith.constant dense<0.000000e+00> : vector<1024x128xf32>
    %dot_general3A_5 = tpu.matmul %get3A_1, %get3A_4, %dot_general3A {dimension_numbers = #tpu.dot_dimension_numbers<[1], [0], [0], [1], [0, 0, 1, 1], [], []>, transpose_lhs_hint = false} : vector<1024x128xf32>, vector<128x128xf32>, vector<1024x128xf32> -> vector<1024x128xf32>
    %get3A_6 = arith.constant 0 : index
    %get3A_7 = arith.constant 0 : index
    %get3A_8 = vector.load %arg8[%get3A_6, %get3A_7] : memref<1x128xf32, #tpu.memory_space<vmem>>, vector<1x128xf32>
    %add3A = vector.broadcast %get3A_8 : vector<1x128xf32> to vector<1024x128xf32>
    %add3A_9 = arith.addf %dot_general3A_5, %add3A : vector<1024x128xf32>
    %logistic3A = arith.negf %add3A_9 : vector<1024x128xf32>
    %logistic3A_10 = math.exp %logistic3A : vector<1024x128xf32>
    %logistic3A_11 = arith.constant 1.000000e+00 : f32
    %logistic3A_12 = vector.broadcast %logistic3A_11 : f32 to vector<1024x128xf32>
    %logistic3A_13 = arith.addf %logistic3A_12, %logistic3A_10 : vector<1024x128xf32>
    %logistic3A_14 = arith.divf %logistic3A_12, %logistic3A_13 : vector<1024x128xf32>
    %mul3A = arith.mulf %add3A_9, %logistic3A_14 : vector<1024x128xf32>
    %get3A_15 = arith.constant 0 : index
    %get3A_16 = arith.constant 0 : index
    %get3A_17 = vector.load %arg9[%get3A_15, %get3A_16] : memref<128x2xf32, #tpu.memory_space<vmem>>, vector<128x2xf32>
    %dot_general3A_18 = arith.constant dense<0.000000e+00> : vector<1024x2xf32>
    %dot_general3A_19 = tpu.matmul %mul3A, %get3A_17, %dot_general3A_18 {dimension_numbers = #tpu.dot_dimension_numbers<[1], [0], [0], [1], [0, 0, 1, 1], [], []>, transpose_lhs_hint = false} : vector<1024x128xf32>, vector<128x2xf32>, vector<1024x2xf32> -> vector<1024x2xf32>
    %get3A_20 = arith.constant 0 : index
    %get3A_21 = arith.constant 0 : index
    %get3A_22 = vector.load %arg10[%get3A_20, %get3A_21] : memref<1x2xf32, #tpu.memory_space<vmem>>, vector<1x2xf32>
    %add3A_23 = vector.broadcast %get3A_22 : vector<1x2xf32> to vector<1024x2xf32>
    %add3A_24 = arith.addf %dot_general3A_19, %add3A_23 : vector<1024x2xf32>
    %slice3A = vector.extract_strided_slice %add3A_24 {offsets = [0, 0], sizes = [1024, 1], strides = [1, 1]} : vector<1024x2xf32> to vector<1024x1xf32>
    %slice3A_25 = vector.extract_strided_slice %add3A_24 {offsets = [0, 1], sizes = [1024, 1], strides = [1, 1]} : vector<1024x2xf32> to vector<1024x1xf32>
    %get3A_26 = arith.constant 0 : index
    %get3A_27 = arith.constant 0 : index
    %get3A_28 = vector.load %arg11[%get3A_26, %get3A_27] : memref<128x3xf32, #tpu.memory_space<vmem>>, vector<128x3xf32>
    %get3A_29 = arith.constant 0 : index
    %get3A_30 = arith.constant 0 : index
    %get3A_31 = arith.constant 0 : index
    %get3A_32 = vector.load %arg3[%get3A_29, %get3A_30, %get3A_31] : memref<256x3x128xf32, #tpu.memory_space<vmem>>, vector<256x3x128xf32>
    %get3A_33 = arith.constant 0 : index
    %get3A_34 = arith.constant 0 : index
    %get3A_35 = arith.constant 0 : index
    %get3A_36 = vector.load %arg4[%get3A_33, %get3A_34, %get3A_35] : memref<256x3x128xf32, #tpu.memory_space<vmem>>, vector<256x3x128xf32>
    %get3A_37 = arith.constant 0 : index
    %get3A_38 = arith.constant 0 : index
    %get3A_39 = arith.constant 0 : index
    %get3A_40 = vector.load %arg5[%get3A_37, %get3A_38, %get3A_39] : memref<256x3x128xf32, #tpu.memory_space<vmem>>, vector<256x3x128xf32>
    %get3A_41 = arith.constant 0 : index
    %get3A_42 = arith.constant 0 : index
    %get3A_43 = arith.constant 0 : index
    %get3A_44 = vector.load %arg6[%get3A_41, %get3A_42, %get3A_43] : memref<256x3x128xf32, #tpu.memory_space<vmem>>, vector<256x3x128xf32>
    %slice3A_45 = vector.extract_strided_slice %get3A_32 {offsets = [0, 0, 0], sizes = [256, 1, 128], strides = [1, 1, 1]} : vector<256x3x128xf32> to vector<256x1x128xf32>
    %squeeze3A = vector.shape_cast %slice3A_45 : vector<256x1x128xf32> to vector<256x128xf32>
    %slice3A_46 = vector.extract_strided_slice %get3A_28 {offsets = [0, 0], sizes = [128, 1], strides = [1, 1]} : vector<128x3xf32> to vector<128x1xf32>
    %dot_general3A_47 = arith.constant dense<0.000000e+00> : vector<256x1xf32>
    %dot_general3A_48 = tpu.matmul %squeeze3A, %slice3A_46, %dot_general3A_47 {dimension_numbers = #tpu.dot_dimension_numbers<[1], [0], [0], [1], [0, 0, 1, 1], [], []>, transpose_lhs_hint = false} : vector<256x128xf32>, vector<128x1xf32>, vector<256x1xf32> -> vector<256x1xf32>
    %slice3A_49 = vector.extract_strided_slice %get3A_36 {offsets = [0, 0, 0], sizes = [256, 1, 128], strides = [1, 1, 1]} : vector<256x3x128xf32> to vector<256x1x128xf32>
    %squeeze3A_50 = vector.shape_cast %slice3A_49 : vector<256x1x128xf32> to vector<256x128xf32>
    %slice3A_51 = vector.extract_strided_slice %get3A_28 {offsets = [0, 0], sizes = [128, 1], strides = [1, 1]} : vector<128x3xf32> to vector<128x1xf32>
    %dot_general3A_52 = arith.constant dense<0.000000e+00> : vector<256x1xf32>
    %dot_general3A_53 = tpu.matmul %squeeze3A_50, %slice3A_51, %dot_general3A_52 {dimension_numbers = #tpu.dot_dimension_numbers<[1], [0], [0], [1], [0, 0, 1, 1], [], []>, transpose_lhs_hint = false} : vector<256x128xf32>, vector<128x1xf32>, vector<256x1xf32> -> vector<256x1xf32>
    %slice3A_54 = vector.extract_strided_slice %get3A_40 {offsets = [0, 0, 0], sizes = [256, 1, 128], strides = [1, 1, 1]} : vector<256x3x128xf32> to vector<256x1x128xf32>
    %squeeze3A_55 = vector.shape_cast %slice3A_54 : vector<256x1x128xf32> to vector<256x128xf32>
    %slice3A_56 = vector.extract_strided_slice %get3A_28 {offsets = [0, 0], sizes = [128, 1], strides = [1, 1]} : vector<128x3xf32> to vector<128x1xf32>
    %dot_general3A_57 = arith.constant dense<0.000000e+00> : vector<256x1xf32>
    %dot_general3A_58 = tpu.matmul %squeeze3A_55, %slice3A_56, %dot_general3A_57 {dimension_numbers = #tpu.dot_dimension_numbers<[1], [0], [0], [1], [0, 0, 1, 1], [], []>, transpose_lhs_hint = false} : vector<256x128xf32>, vector<128x1xf32>, vector<256x1xf32> -> vector<256x1xf32>
    %slice3A_59 = vector.extract_strided_slice %get3A_44 {offsets = [0, 0, 0], sizes = [256, 1, 128], strides = [1, 1, 1]} : vector<256x3x128xf32> to vector<256x1x128xf32>
    %squeeze3A_60 = vector.shape_cast %slice3A_59 : vector<256x1x128xf32> to vector<256x128xf32>
    %slice3A_61 = vector.extract_strided_slice %get3A_28 {offsets = [0, 0], sizes = [128, 1], strides = [1, 1]} : vector<128x3xf32> to vector<128x1xf32>
    %dot_general3A_62 = arith.constant dense<0.000000e+00> : vector<256x1xf32>
    %dot_general3A_63 = tpu.matmul %squeeze3A_60, %slice3A_61, %dot_general3A_62 {dimension_numbers = #tpu.dot_dimension_numbers<[1], [0], [0], [1], [0, 0, 1, 1], [], []>, transpose_lhs_hint = false} : vector<256x128xf32>, vector<128x1xf32>, vector<256x1xf32> -> vector<256x1xf32>
    %concatenate3A = tpu.concatenate %dot_general3A_48, %dot_general3A_53, %dot_general3A_58, %dot_general3A_63 in 0 : vector<256x1xf32>, vector<256x1xf32>, vector<256x1xf32>, vector<256x1xf32> -> vector<1024x1xf32>
    %slice3A_64 = vector.extract_strided_slice %get3A_32 {offsets = [0, 1, 0], sizes = [256, 1, 128], strides = [1, 1, 1]} : vector<256x3x128xf32> to vector<256x1x128xf32>
    %squeeze3A_65 = vector.shape_cast %slice3A_64 : vector<256x1x128xf32> to vector<256x128xf32>
    %slice3A_66 = vector.extract_strided_slice %get3A_28 {offsets = [0, 1], sizes = [128, 1], strides = [1, 1]} : vector<128x3xf32> to vector<128x1xf32>
    %dot_general3A_67 = arith.constant dense<0.000000e+00> : vector<256x1xf32>
    %dot_general3A_68 = tpu.matmul %squeeze3A_65, %slice3A_66, %dot_general3A_67 {dimension_numbers = #tpu.dot_dimension_numbers<[1], [0], [0], [1], [0, 0, 1, 1], [], []>, transpose_lhs_hint = false} : vector<256x128xf32>, vector<128x1xf32>, vector<256x1xf32> -> vector<256x1xf32>
    %slice3A_69 = vector.extract_strided_slice %get3A_36 {offsets = [0, 1, 0], sizes = [256, 1, 128], strides = [1, 1, 1]} : vector<256x3x128xf32> to vector<256x1x128xf32>
    %squeeze3A_70 = vector.shape_cast %slice3A_69 : vector<256x1x128xf32> to vector<256x128xf32>
    %slice3A_71 = vector.extract_strided_slice %get3A_28 {offsets = [0, 1], sizes = [128, 1], strides = [1, 1]} : vector<128x3xf32> to vector<128x1xf32>
    %dot_general3A_72 = arith.constant dense<0.000000e+00> : vector<256x1xf32>
    %dot_general3A_73 = tpu.matmul %squeeze3A_70, %slice3A_71, %dot_general3A_72 {dimension_numbers = #tpu.dot_dimension_numbers<[1], [0], [0], [1], [0, 0, 1, 1], [], []>, transpose_lhs_hint = false} : vector<256x128xf32>, vector<128x1xf32>, vector<256x1xf32> -> vector<256x1xf32>
    %slice3A_74 = vector.extract_strided_slice %get3A_40 {offsets = [0, 1, 0], sizes = [256, 1, 128], strides = [1, 1, 1]} : vector<256x3x128xf32> to vector<256x1x128xf32>
    %squeeze3A_75 = vector.shape_cast %slice3A_74 : vector<256x1x128xf32> to vector<256x128xf32>
    %slice3A_76 = vector.extract_strided_slice %get3A_28 {offsets = [0, 1], sizes = [128, 1], strides = [1, 1]} : vector<128x3xf32> to vector<128x1xf32>
    %dot_general3A_77 = arith.constant dense<0.000000e+00> : vector<256x1xf32>
    %dot_general3A_78 = tpu.matmul %squeeze3A_75, %slice3A_76, %dot_general3A_77 {dimension_numbers = #tpu.dot_dimension_numbers<[1], [0], [0], [1], [0, 0, 1, 1], [], []>, transpose_lhs_hint = false} : vector<256x128xf32>, vector<128x1xf32>, vector<256x1xf32> -> vector<256x1xf32>
    %slice3A_79 = vector.extract_strided_slice %get3A_44 {offsets = [0, 1, 0], sizes = [256, 1, 128], strides = [1, 1, 1]} : vector<256x3x128xf32> to vector<256x1x128xf32>
    %squeeze3A_80 = vector.shape_cast %slice3A_79 : vector<256x1x128xf32> to vector<256x128xf32>
    %slice3A_81 = vector.extract_strided_slice %get3A_28 {offsets = [0, 1], sizes = [128, 1], strides = [1, 1]} : vector<128x3xf32> to vector<128x1xf32>
    %dot_general3A_82 = arith.constant dense<0.000000e+00> : vector<256x1xf32>
    %dot_general3A_83 = tpu.matmul %squeeze3A_80, %slice3A_81, %dot_general3A_82 {dimension_numbers = #tpu.dot_dimension_numbers<[1], [0], [0], [1], [0, 0, 1, 1], [], []>, transpose_lhs_hint = false} : vector<256x128xf32>, vector<128x1xf32>, vector<256x1xf32> -> vector<256x1xf32>
    %concatenate3A_84 = tpu.concatenate %dot_general3A_68, %dot_general3A_73, %dot_general3A_78, %dot_general3A_83 in 0 : vector<256x1xf32>, vector<256x1xf32>, vector<256x1xf32>, vector<256x1xf32> -> vector<1024x1xf32>
    %slice3A_85 = vector.extract_strided_slice %get3A_32 {offsets = [0, 2, 0], sizes = [256, 1, 128], strides = [1, 1, 1]} : vector<256x3x128xf32> to vector<256x1x128xf32>
    %squeeze3A_86 = vector.shape_cast %slice3A_85 : vector<256x1x128xf32> to vector<256x128xf32>
    %slice3A_87 = vector.extract_strided_slice %get3A_28 {offsets = [0, 2], sizes = [128, 1], strides = [1, 1]} : vector<128x3xf32> to vector<128x1xf32>
    %dot_general3A_88 = arith.constant dense<0.000000e+00> : vector<256x1xf32>
    %dot_general3A_89 = tpu.matmul %squeeze3A_86, %slice3A_87, %dot_general3A_88 {dimension_numbers = #tpu.dot_dimension_numbers<[1], [0], [0], [1], [0, 0, 1, 1], [], []>, transpose_lhs_hint = false} : vector<256x128xf32>, vector<128x1xf32>, vector<256x1xf32> -> vector<256x1xf32>
    %slice3A_90 = vector.extract_strided_slice %get3A_36 {offsets = [0, 2, 0], sizes = [256, 1, 128], strides = [1, 1, 1]} : vector<256x3x128xf32> to vector<256x1x128xf32>
    %squeeze3A_91 = vector.shape_cast %slice3A_90 : vector<256x1x128xf32> to vector<256x128xf32>
    %slice3A_92 = vector.extract_strided_slice %get3A_28 {offsets = [0, 2], sizes = [128, 1], strides = [1, 1]} : vector<128x3xf32> to vector<128x1xf32>
    %dot_general3A_93 = arith.constant dense<0.000000e+00> : vector<256x1xf32>
    %dot_general3A_94 = tpu.matmul %squeeze3A_91, %slice3A_92, %dot_general3A_93 {dimension_numbers = #tpu.dot_dimension_numbers<[1], [0], [0], [1], [0, 0, 1, 1], [], []>, transpose_lhs_hint = false} : vector<256x128xf32>, vector<128x1xf32>, vector<256x1xf32> -> vector<256x1xf32>
    %slice3A_95 = vector.extract_strided_slice %get3A_40 {offsets = [0, 2, 0], sizes = [256, 1, 128], strides = [1, 1, 1]} : vector<256x3x128xf32> to vector<256x1x128xf32>
    %squeeze3A_96 = vector.shape_cast %slice3A_95 : vector<256x1x128xf32> to vector<256x128xf32>
    %slice3A_97 = vector.extract_strided_slice %get3A_28 {offsets = [0, 2], sizes = [128, 1], strides = [1, 1]} : vector<128x3xf32> to vector<128x1xf32>
    %dot_general3A_98 = arith.constant dense<0.000000e+00> : vector<256x1xf32>
    %dot_general3A_99 = tpu.matmul %squeeze3A_96, %slice3A_97, %dot_general3A_98 {dimension_numbers = #tpu.dot_dimension_numbers<[1], [0], [0], [1], [0, 0, 1, 1], [], []>, transpose_lhs_hint = false} : vector<256x128xf32>, vector<128x1xf32>, vector<256x1xf32> -> vector<256x1xf32>
    %slice3A_100 = vector.extract_strided_slice %get3A_44 {offsets = [0, 2, 0], sizes = [256, 1, 128], strides = [1, 1, 1]} : vector<256x3x128xf32> to vector<256x1x128xf32>
    %squeeze3A_101 = vector.shape_cast %slice3A_100 : vector<256x1x128xf32> to vector<256x128xf32>
    %slice3A_102 = vector.extract_strided_slice %get3A_28 {offsets = [0, 2], sizes = [128, 1], strides = [1, 1]} : vector<128x3xf32> to vector<128x1xf32>
    %dot_general3A_103 = arith.constant dense<0.000000e+00> : vector<256x1xf32>
    %dot_general3A_104 = tpu.matmul %squeeze3A_101, %slice3A_102, %dot_general3A_103 {dimension_numbers = #tpu.dot_dimension_numbers<[1], [0], [0], [1], [0, 0, 1, 1], [], []>, transpose_lhs_hint = false} : vector<256x128xf32>, vector<128x1xf32>, vector<256x1xf32> -> vector<256x1xf32>
    %concatenate3A_105 = tpu.concatenate %dot_general3A_89, %dot_general3A_94, %dot_general3A_99, %dot_general3A_104 in 0 : vector<256x1xf32>, vector<256x1xf32>, vector<256x1xf32>, vector<256x1xf32> -> vector<1024x1xf32>
    %concatenate3A_106 = tpu.concatenate %concatenate3A, %concatenate3A_84, %concatenate3A_105 in 1 : vector<1024x1xf32>, vector<1024x1xf32>, vector<1024x1xf32> -> vector<1024x3xf32>
    %get3A_107 = arith.constant 0 : index
    %get3A_108 = arith.constant 0 : index
    %get3A_109 = vector.load %arg12[%get3A_107, %get3A_108] : memref<1x1xf32, #tpu.memory_space<vmem>>, vector<1x1xf32>
    %get3A_110 = vector.extract %get3A_109[0, 0] : f32 from vector<1x1xf32>
    %add3A_111 = vector.broadcast %get3A_110 : f32 to vector<1024x3xf32>
    %add3A_112 = arith.addf %concatenate3A_106, %add3A_111 : vector<1024x3xf32>
    %mul3A_113 = vector.broadcast %slice3A_25 : vector<1024x1xf32> to vector<1024x3xf32>
    %mul3A_114 = arith.mulf %mul3A_113, %add3A_112 : vector<1024x3xf32>
    %get3A_115 = arith.constant 0 : index
    %get3A_116 = arith.constant 0 : index
    %get3A_117 = vector.load %arg1[%get3A_115, %get3A_116] : memref<1024x3xf32, #tpu.memory_space<vmem>>, vector<1024x3xf32>
    %mul3A_118 = vector.broadcast %slice3A : vector<1024x1xf32> to vector<1024x3xf32>
    %mul3A_119 = arith.mulf %mul3A_118, %get3A_117 : vector<1024x3xf32>
    %add3A_120 = arith.addf %mul3A_114, %mul3A_119 : vector<1024x3xf32>
    %mul3A_121 = arith.constant 1024 : i32
    %mul3A_122 = arith.muli %arg0, %mul3A_121 : i32
    %iota3A = tpu.iota {dimensions = array<i32: 0>} : vector<1024x1xi32>
    %add3A_123 = vector.broadcast %mul3A_122 : i32 to vector<1024x1xi32>
    %add3A_124 = arith.addi %add3A_123, %iota3A : vector<1024x1xi32>
    %lt3A = arith.constant 100000 : i32
    %lt3A_125 = vector.broadcast %lt3A : i32 to vector<1024x1xi32>
    %lt3A_126 = arith.cmpi slt, %add3A_124, %lt3A_125 : vector<1024x1xi32>
    %jit3A = arith.constant 0.000000e+00 : f32
    %broadcast_in_dim3A = vector.shape_cast %lt3A_126 : vector<1024x1xi1> to vector<1024x1xi1>
    %broadcast_in_dim3A_127 = vector.broadcast %broadcast_in_dim3A : vector<1024x1xi1> to vector<1024x3xi1>
    %broadcast_in_dim3A_128 = vector.broadcast %jit3A : f32 to vector<1024x3xf32>
    %select_n3A = arith.select %broadcast_in_dim3A_127, %add3A_120, %broadcast_in_dim3A_128 : vector<1024x3xi1>, vector<1024x3xf32>
    %broadcast_in_dim3A_129 = arith.constant 0.000000e+00 : f32
    %broadcast_in_dim3A_130 = vector.broadcast %broadcast_in_dim3A_129 : f32 to vector<1024x125xf32>
    %concatenate3A_131 = tpu.concatenate %select_n3A, %broadcast_in_dim3A_130 in 1 : vector<1024x3xf32>, vector<1024x125xf32> -> vector<1024x128xf32>
    %swap3A = arith.constant 0 : index
    %swap3A_132 = arith.constant 0 : index
    %swap3A_133 = vector.load %arg13[%swap3A, %swap3A_132] : memref<1024x128xf32, #tpu.memory_space<vmem>>, vector<1024x128xf32>
    tpu.vector_store %arg13[%swap3A, %swap3A_132], %concatenate3A_131 {strides = array<i32>} : memref<1024x128xf32, #tpu.memory_space<vmem>>, vector<1024x128xf32>,
    return
  }
  func.func @transform_0(%arg0: i32) -> (i32, i32) {
    %min3A = arith.constant 97 : i32
    %min3A_0 = arith.minsi %arg0, %min3A : i32
    %c0_i32 = arith.constant 0 : i32
    %c0_i32_1 = arith.constant 0 : i32
    return %min3A_0, %c0_i32 : i32, i32
  }
  func.func @transform_1(%arg0: i32) -> (i32, i32) {
    %min3A = arith.constant 97 : i32
    %min3A_0 = arith.minsi %arg0, %min3A : i32
    %c0_i32 = arith.constant 0 : i32
    %c0_i32_1 = arith.constant 0 : i32
    return %min3A_0, %c0_i32 : i32, i32
  }
  func.func @transform_2(%arg0: i32) -> (i32, i32, i32) {
    %mul3A = arith.constant 4 : i32
    %mul3A_0 = arith.muli %mul3A, %arg0 : i32
    %add3A = arith.constant 0 : i32
    %add3A_1 = arith.addi %mul3A_0, %add3A : i32
    %min3A = arith.constant 390 : i32
    %min3A_2 = arith.minsi %add3A_1, %min3A : i32
    %c0_i32 = arith.constant 0 : i32
    %c0_i32_3 = arith.constant 0 : i32
    %c0_i32_4 = arith.constant 0 : i32
    return %min3A_2, %c0_i32, %c0_i32_3 : i32, i32, i32
  }
  func.func @transform_3(%arg0: i32) -> (i32, i32, i32) {
    %mul3A = arith.constant 4 : i32
    %mul3A_0 = arith.muli %mul3A, %arg0 : i32
    %add3A = arith.constant 1 : i32
    %add3A_1 = arith.addi %mul3A_0, %add3A : i32
    %min3A = arith.constant 390 : i32
    %min3A_2 = arith.minsi %add3A_1, %min3A : i32
    %c0_i32 = arith.constant 0 : i32
    %c0_i32_3 = arith.constant 0 : i32
    %c0_i32_4 = arith.constant 0 : i32
    return %min3A_2, %c0_i32, %c0_i32_3 : i32, i32, i32
  }
  func.func @transform_4(%arg0: i32) -> (i32, i32, i32) {
    %mul3A = arith.constant 4 : i32
    %mul3A_0 = arith.muli %mul3A, %arg0 : i32
    %add3A = arith.constant 2 : i32
    %add3A_1 = arith.addi %mul3A_0, %add3A : i32
    %min3A = arith.constant 390 : i32
    %min3A_2 = arith.minsi %add3A_1, %min3A : i32
    %c0_i32 = arith.constant 0 : i32
    %c0_i32_3 = arith.constant 0 : i32
    %c0_i32_4 = arith.constant 0 : i32
    return %min3A_2, %c0_i32, %c0_i32_3 : i32, i32, i32
  }
  func.func @transform_5(%arg0: i32) -> (i32, i32, i32) {
    %mul3A = arith.constant 4 : i32
    %mul3A_0 = arith.muli %mul3A, %arg0 : i32
    %add3A = arith.constant 3 : i32
    %add3A_1 = arith.addi %mul3A_0, %add3A : i32
    %min3A = arith.constant 390 : i32
    %min3A_2 = arith.minsi %add3A_1, %min3A : i32
    %c0_i32 = arith.constant 0 : i32
    %c0_i32_3 = arith.constant 0 : i32
    %c0_i32_4 = arith.constant 0 : i32
    return %min3A_2, %c0_i32, %c0_i32_3 : i32, i32, i32
  }
  func.func @transform_6(%arg0: i32) -> (i32, i32) {
    %c0_i32 = arith.constant 0 : i32
    %c0_i32_0 = arith.constant 0 : i32
    %c0_i32_1 = arith.constant 0 : i32
    return %c0_i32, %c0_i32_0 : i32, i32
  }
  func.func @transform_7(%arg0: i32) -> (i32, i32) {
    %c0_i32 = arith.constant 0 : i32
    %c0_i32_0 = arith.constant 0 : i32
    %c0_i32_1 = arith.constant 0 : i32
    return %c0_i32, %c0_i32_0 : i32, i32
  }
  func.func @transform_8(%arg0: i32) -> (i32, i32) {
    %c0_i32 = arith.constant 0 : i32
    %c0_i32_0 = arith.constant 0 : i32
    %c0_i32_1 = arith.constant 0 : i32
    return %c0_i32, %c0_i32_0 : i32, i32
  }
  func.func @transform_9(%arg0: i32) -> (i32, i32) {
    %c0_i32 = arith.constant 0 : i32
    %c0_i32_0 = arith.constant 0 : i32
    %c0_i32_1 = arith.constant 0 : i32
    return %c0_i32, %c0_i32_0 : i32, i32
  }
  func.func @transform_10(%arg0: i32) -> (i32, i32) {
    %c0_i32 = arith.constant 0 : i32
    %c0_i32_0 = arith.constant 0 : i32
    %c0_i32_1 = arith.constant 0 : i32
    return %c0_i32, %c0_i32_0 : i32, i32
  }
  func.func @transform_11(%arg0: i32) -> (i32, i32) {
    %c0_i32 = arith.constant 0 : i32
    %c0_i32_0 = arith.constant 0 : i32
    %c0_i32_1 = arith.constant 0 : i32
    return %c0_i32, %c0_i32_0 : i32, i32
  }
  func.func @transform_12(%arg0: i32) -> (i32, i32) {
    %c0_i32 = arith.constant 0 : i32
    %c0_i32_0 = arith.constant 0 : i32
    return %arg0, %c0_i32 : i32, i32
  }
}

module attributes {stable_mosaic.version = 14 : i64} {
  func.func @_norm_body(%arg0: memref<2x512x128xf32, #tpu.memory_space<vmem>>, %arg1: memref<512x1xf32, #tpu.memory_space<vmem>>) attributes {dimension_semantics = [], scalar_prefetch = 0 : i64, scratch_operands = 0 : i64, tpu.core_type = #tpu.core_type<tc>} {
    %get3A = arith.constant 0 : index
    %get3A_0 = arith.constant 0 : index
    %get3A_1 = arith.constant 0 : index
    %get3A_2 = vector.load %arg0[%get3A, %get3A_0, %get3A_1] : memref<2x512x128xf32, #tpu.memory_space<vmem>>, vector<1x512x128xf32>
    %get3A_3 = vector.shape_cast %get3A_2 : vector<1x512x128xf32> to vector<512x128xf32>
    %get3A_4 = arith.constant 1 : index
    %get3A_5 = arith.constant 0 : index
    %get3A_6 = arith.constant 0 : index
    %get3A_7 = vector.load %arg0[%get3A_4, %get3A_5, %get3A_6] : memref<2x512x128xf32, #tpu.memory_space<vmem>>, vector<1x512x128xf32>
    %get3A_8 = vector.shape_cast %get3A_7 : vector<1x512x128xf32> to vector<512x128xf32>
    %add3A = arith.addf %get3A_3, %get3A_8 : vector<512x128xf32>
    %mul3A = arith.mulf %add3A, %add3A : vector<512x128xf32>
    %reduce_sum3A = arith.constant dense<0.000000e+00> : vector<512xf32>
    %reduce_sum3A_9 = vector.multi_reduction <add>, %mul3A, %reduce_sum3A [1] : vector<512x128xf32> to vector<512xf32>
    %broadcast_in_dim3A = vector.shape_cast %reduce_sum3A_9 : vector<512xf32> to vector<512x1xf32>
    %sqrt3A = math.sqrt %broadcast_in_dim3A : vector<512x1xf32>
    %swap3A = arith.constant 0 : index
    %swap3A_10 = arith.constant 0 : index
    %swap3A_11 = vector.load %arg1[%swap3A, %swap3A_10] : memref<512x1xf32, #tpu.memory_space<vmem>>, vector<512x1xf32>
    tpu.vector_store %arg1[%swap3A, %swap3A_10], %sqrt3A {strides = array<i32>} : memref<512x1xf32, #tpu.memory_space<vmem>>, vector<512x1xf32>,
    return
  }
}

</mosaic_0001>

<sc_bundles>
// kernel: kernel.5.cloned.1.call-start
scs
__scs_entry_jumppad:
0x0: {  	(pc) =	sbr.rel $0x88, $3  }
0x1: {  	(tag) =	ssettag $0x0;
	lr =	simm.s32 $0x1  }
0x2: {  	[smem:$0x3F93] =	sst lr;
	_ =	strace $0xD0000000  }
0x3: {  	_ = 	snop  }
0x4: {  	_ = 	snop  }
0x5: {  	_ = 	snop  }
0x6: {  	_ = 	snop  }
0x7: {  	_ = 	snop  }
__scs_overlays_trampoline_lowered:
0x8: {  	[smem:$0x3FA2] =	sst s0  }
0x9: {  	[smem:$0x3FA3] =	sst s1  }
0xa: {  	[smem:$0x3FA4] =	sst s2  }
0xb: {  	[smem:$0x3FA5] =	sst s3  }
0xc: {  	[smem:$0x3FA6] =	sst s4  }
0xd: {  	[smem:$0x3FA7] =	sst s5  }
0xe: {  	[smem:$0x3FA8] =	sst s6  }
0xf: {  	[smem:$0x3FA9] =	sst s7  }
0x10: {  	[smem:$0x3FAA] =	sst s8  }
0x11: {  	[smem:$0x3FAB] =	sst s9;
	s0 =	simm.s32 @!p0 $0x0  }
0x12: {  	s1 =	sld [smem:$0x3F91];
	s0 =	simm.s32 @p0 $0x1  }
0x13: {  	[smem:$0x3FAC] =	sst s0;
	s0 =	simm.s32 @!p1 $0x0  }
0x14: {  	s2 =	sld [smem:$0x3F90];
	s0 =	simm.s32 @p1 $0x1  }
0x15: {  	[smem:$0x3FAD] =	sst s0;
	s0 =	simm.s32 @!p2 $0x0  }
0x16: {  	s3 =	sld [smem:$0x3FDB];
	s0 =	simm.s32 @p2 $0x1  }
0x17: {  	s4 =	simm.s32 $0x1BF5;
	[smem:$0x3FAF] =	sst s0  }
0x18: {  	s0 =	sld [smem:$0x3F92];
	_ =	swait.ge [sflag:s4], $0x0  }
0x19: {  	s7 =	sld [smem:$0x3F93]  }
0x1a: {  	s8 =	sadd.s32 $0xFFFFE003, lr  }
0x1b: {  	s9 =	sadd.s32 $0xFFFFFEF7, lr;
	s5 =	simm.s32 $0xFFFFFFFF;
	p2 =	slt.u32 s8, $0xFFFFF086  }
0x1c: {  	p1 =	slt.u32 s9, $0xF7A;
	s5 =	simm.s32 @!p2 $0x0  }
0x1d: {  	s5 =	simm.s32 @p1 $0x1;
	p0 =	seq.s32 s7, s2  }
0x1e: {  	s7 =	smul.u32 @!p0 $0xF7A, s2;
	p2 =	seq.s32 @!p0 s5, $0x0  }
0x1f: {  	s9 =	smul.u32 $0xF7A, s1;
	s8 =	simm.s32 @!p0 $0x1BF5;
	p2 =	por !p2, p0  }
0x20: {  	[sflag:s8] =	ssyncset.s32 @!p0 $0xFFFFF086;
	s6 =	sadd.s32 @!p0 s3, s7;
	s7 =	simm.s32 @!p0 $0x108  }
0x21: {  	s3 =	sadd.s32 s3, s9;
	s6 =	sadd.s32 @!p0 $0x88, s6;
	s7 =	simm.s32 @p2 $0x1082  }
0x22: {  	[simem:s7], [sflag:s8] =	dma.local @!p0 [hbm:s6], $0xF7A  }
0x23: {  	s9 =	sor.u32 $0xD0000000, s2;
	s6 =	simm.s32 $0x108;
	_ =	swait.ge @!p0 [sflag:s8], $0x0  }
0x24: {  	s3 =	sadd.s32 $0x88, s3;
	s6 =	simm.s32 @!p1 $0x1082;
	[sflag:s4] =	ssyncset.s32 $0xFFFFF086  }
0x25: {  	[simem:s6], [sflag:s4] =	dma.local [hbm:s3], $0xF7A  }
0x26: {  	[smem:$0x3F93] =	sst s1;
	(tag) =	ssettag s2;
	_ =	strace s9  }
0x27: {  	s1 =	sld [smem:$0x3FA3]  }
0x28: {  	s2 =	sld [smem:$0x3FA4]  }
0x29: {  	s4 =	sld [smem:$0x3FA6]  }
0x2a: {  	p0 =	seq.s32 s5, $0x0;
	s5 =	sld [smem:$0x3FA7]  }
0x2b: {  	s6 =	sld [smem:$0x3FA8]  }
0x2c: {  	s7 =	sld [smem:$0x3FA9]  }
0x2d: {  	s3 =	simm.s32 $0x108;
	s8 =	sld [smem:$0x3FAA]  }
0x2e: {  	s3 =	simm.s32 @!p0 $0x1082;
	s9 =	sld [smem:$0x3FAB]  }
0x2f: {  	lr =	sadd.s32 s0, s3;
	s0 =	sld [smem:$0x3FA2]  }
0x30: {  	s3 =	sld [smem:$0x3FA5]  }
0x31: {  	[smem:$0x3FAE] =	sst s10  }
0x32: {  	s10 =	sld [smem:$0x3FAC];
	_ =	sdelay $0x3  }
0x33: {  	p0 =	seq.s32 s10, $0x1;
	s10 =	sld [smem:$0x3FAE];
	_ =	sdelay $0x3  }
0x34: {  	[smem:$0x3FAE] =	sst s10  }
0x35: {  	s10 =	sld [smem:$0x3FAD];
	_ =	sdelay $0x3  }
0x36: {  	p1 =	seq.s32 s10, $0x1;
	s10 =	sld [smem:$0x3FAE];
	_ =	sdelay $0x3  }
0x37: {  	[smem:$0x3FAE] =	sst s10  }
0x38: {  	s10 =	sld [smem:$0x3FAF]  }
0x39: {  	_ = 	snop;
	(pc) =	sbr.ind lr, $3  }
0x3a: {  	_ = 	snop  }
0x3b: {  	_ = 	snop  }
0x3c: {  	p2 =	seq.s32 s10, $0x1;
	s10 =	sld [smem:$0x3FAE]  }
0x3d: {  	_ =	shalt  }
0x3e: {  	_ =	shalt  }
0x3f: {  	_ =	shalt  }
0x40: {  	_ =	shalt  }
0x41: {  	_ =	shalt  }
0x42: {  	_ =	shalt  }
0x43: {  	_ =	shalt  }
0x44: {  	_ =	shalt  }
0x45: {  	_ =	shalt  }
0x46: {  	_ =	shalt  }
0x47: {  	_ =	shalt  }
0x48: {  	_ =	shalt  }
0x49: {  	_ =	shalt  }
0x4a: {  	_ =	shalt  }
0x4b: {  	_ =	shalt  }
0x4c: {  	_ =	shalt  }
0x4d: {  	_ =	shalt  }
0x4e: {  	_ =	shalt  }
0x4f: {  	_ =	shalt  }
0x50: {  	_ =	shalt  }
0x51: {  	_ =	shalt  }
0x52: {  	_ =	shalt  }
0x53: {  	_ =	shalt  }
0x54: {  	_ =	shalt  }
0x55: {  	_ =	shalt  }
0x56: {  	_ =	shalt  }
0x57: {  	_ =	shalt  }
0x58: {  	_ =	shalt  }
0x59: {  	_ =	shalt  }
0x5a: {  	_ =	shalt  }
0x5b: {  	_ =	shalt  }
0x5c: {  	_ =	shalt  }
0x5d: {  	_ =	shalt  }
0x5e: {  	_ =	shalt  }
0x5f: {  	_ =	shalt  }
0x60: {  	_ =	shalt  }
0x61: {  	_ =	shalt  }
0x62: {  	_ =	shalt  }
0x63: {  	_ =	shalt  }
0x64: {  	_ =	shalt  }
0x65: {  	_ =	shalt  }
0x66: {  	_ =	shalt  }
0x67: {  	_ =	shalt  }
0x68: {  	_ =	shalt  }
0x69: {  	_ =	shalt  }
0x6a: {  	_ =	shalt  }
0x6b: {  	_ =	shalt  }
0x6c: {  	_ =	shalt  }
0x6d: {  	_ =	shalt  }
0x6e: {  	_ =	shalt  }
0x6f: {  	_ =	shalt  }
0x70: {  	_ =	shalt  }
0x71: {  	_ =	shalt  }
0x72: {  	_ =	shalt  }
0x73: {  	_ =	shalt  }
0x74: {  	_ =	shalt  }
0x75: {  	_ =	shalt  }
0x76: {  	_ =	shalt  }
0x77: {  	_ =	shalt  }
0x78: {  	_ =	shalt  }
0x79: {  	_ =	shalt  }
0x7a: {  	_ =	shalt  }
0x7b: {  	_ =	shalt  }
0x7c: {  	_ =	shalt  }
0x7d: {  	_ =	shalt  }
0x7e: {  	_ =	shalt  }
0x7f: {  	_ =	shalt  }
0x80: {  	_ =	shalt  }
0x81: {  	_ =	shalt  }
0x82: {  	_ =	shalt  }
0x83: {  	_ =	shalt  }
0x84: {  	_ =	shalt  }
0x85: {  	_ =	shalt  }
0x86: {  	_ =	shalt  }
0x87: {  	_ =	shalt  }
.Lfunc_end0:
.L_simem_size_0:
called_computation_lowered:
.L_overlay_start_0:
0x88: {  	s2 =	sld [smem:$0x3FD9]  }
0x89: {  	s3 =	sld [smem:$0x3FFE];
	_ =	sdelay $0x1  }
0x8a: {  	s1 =	srdreg.scid  }
0x8b: {  	s0 =	sand.u32 $0x1, s1  }
0x8c: {  	s16 =	sshll.u32 s0, $0xA;
	s2 =	sadd.s32 s3, s2  }
0x8d: {  	s2 =	sadd.s32 s2, s16  }
0x8e: {  	[smem:$0x3FBA] =	sst s2  }
0x8f: {  	_ = 	snop  }
0x90: {  	(tm) =	ssettm $0x1  }
0x91: {  	s17 =	sld [smem:$0x3FFB];
	_ =	sdelay $0x3  }
0x92: {  	_ =	strace s17  }
0x93: {  	s2 =	sld [smem:$0x3FFC];
	_ =	sdelay $0x3  }
0x94: {  	_ =	strace s2  }
0x95: {  	s2 =	sld [smem:$0x3FFD];
	_ =	sdelay $0x3  }
0x96: {  	_ =	strace s2  }
0x97: {  	_ =	strace $0x8FFFFFFF  }
0x98: {  	s18 =	sld [smem:$0x3FDB];
	_ =	sdelay $0x1  }
0x99: {  	s19 =	simm.s32 $_scs_section_size  }
0x9a: {  	s4 =	simm.s32 $_size__tile_overlayer_lowered;
	s5 =	simm.s32 $_tile_overlayer_lowered  }
0x9b: {  	s22 =	simm.s32 $0x1BFF;
	s21 =	sshll.u32 s5, $0x1;
	s2 =	sadd.s32 s19, s18  }
0x9c: {  	s6 =	simm.s32 $0x0;
	s20 =	sshll.u32 s4, $0x1;
	s4 =	sadd.s32 s21, s2  }
0x9d: {  	[timem:s6], [sflag:s22] =	dma.local [hbm:s4], s20  }
0x9e: {  	_ =	swait.ge [sflag:s22], s20  }
0x9f: {  	s3 =	ssub.s32 $0x0, s20;
	[sflag:s22] =	ssyncset.done $0x0  }
0xa0: {  	[sflag:s22] =	ssyncadd.s32 s3;
	_ =	sdelay $0x1  }
0xa1: {  	s23 =	simm.s32 $0x1B8B  }
0xa2: {  	_ =	swait.ge [sflag:s23], $0x1  }
0xa3: {  	[sflag:s23] =	ssyncset.done $0x0  }
0xa4: {  	s25 =	simm.s32 $0x1B8E;
	s24 =	sld [smem:$0x3FFE];
	[sflag:s23] =	ssyncadd.s32 $0xFFFFFFFF  }
0xa5: {  	s26 =	simm.s32 $execute0_lowered;
	[smem:$0x3FD2] =	sst s25  }
0xa6: {  	s4 =	sshll.u32 s26, $0x1;
	_ =	strace $0x80000046;
	[dreg:$0x1] =	wrdreg $0xFFFFFFFF  }
0xa7: {  	s28 =	simm.s32 $_size_execute0_lowered;
	s2 =	sadd.s32 s2, s4;
	[dreg:$0x0] =	wrdreg $0x0  }
0xa8: {  	s4 =	sshll.u32 s28, $0x1;
	[dreg:$0x2] =	wrdreg s2  }
0xa9: {  	[dreg:$0x3] =	wrdreg s4  }
0xaa: {  	[dreg:$0x4] =	wrdreg $0xC0  }
0xab: {  	_ =	task [dreg:s6], $0x5FFFF  }
0xac: {  	[dreg:$0x1] =	wrdreg $0xFFFFFFFF  }
0xad: {  	[dreg:$0x0] =	wrdreg $0x60  }
0xae: {  	[dreg:$0x2] =	wrdreg s24  }
0xaf: {  	[dreg:$0x3] =	wrdreg $0x14C800  }
0xb0: {  	[dreg:$0x4] =	wrdreg $0x9  }
0xb1: {  	_ =	task.clear_ibuf [dreg:s6], $0x5FFFF;
	_ =	strace $0x90000046  }
0xb2: {  	s29 =	simm.s32 $0x9;
	_ =	strace $0x80000048  }
0xb3: {  	_ =	swait.ge [sflag:s29], $0x1  }
0xb4: {  	[sflag:s29] =	ssyncadd.s32 $0xFFFFFFFF  }
0xb5: {  	_ =	strace $0x90000048  }
0xb6: {  	_ =	sfence  }
0xb7: {  	s30 =	sld [smem:$0x0];
	_ =	sdelay $0x2  }
0xb8: {  	s31 =	sshll.u32 s1, $0xD;
	s1 =	sshrl.u32 s1, $0x2  }
0xb9: {  	s3 =	sand.u32 $0x4000, s31;
	s1 =	sadd.s32 s1, s30  }
0xba: {  	s0 =	sor.u32 s3, s0;
	s1 =	sshll.u32 s1, $0x11  }
0xbb: {  	s0 =	sor.u32 s1, s0  }
0xbc: {  	s0 =	sadd.s32 $0x8F2B, s0  }
0xbd: {  	[sflag:s0] =	ssyncadd.remote.s32 $0x1  }
0xbe: {  	_ =	sfence.sel $0xFFFF  }
0xbf: {  	[dreg:$0x0] =	wrdreg $0xFFFFFFFF;
	(pc) =	sbr.abs _section_cstart, $3  }
0xc0: {  	[dreg:$0x1] =	wrdreg $0xFFFFFFFF  }
0xc1: {  	_ =	task.clear_ibuf [dreg:s6], $0x2FFFF;
	_ =	strace $0x9FFFFFFF  }
0xc2: {  	(tm) =	ssettm $0x7FFFFFFF  }
0xc3: {  	_ =	shalt  }
tec
execute0_lowered:
.L_overlay_start_1:
0x0: {  	(tag) =	ssettag $0x1  }
0x1: {  	s0 =	srdreg.scid;
	s4 =	rddreg [dreg:$0x0]  }
0x2: {  	s3 =	stileid.u32;
	s1 =	rddreg [dreg:$0x1];
	s24 =	simm.s32 $0x100  }
0x3: {  	s25 =	simm.s32 $0x180;
	s26 =	simm.s32 $0x200;
	s29 =	simm.s32 $0x280  }
0x4: {  	s10 =	simm.s32 $0x4C80;
	s30 =	simm.s32 $0x300;
	s9 =	simm.s32 $0x8C80  }
0x5: {  	s11 =	simm.s32 $0x380;
	s8 =	simm.s32 $0xCC80;
	s28 =	simm.s32 $0x400  }
0x6: {  	s16 =	simm.s32 $0x980;
	s0 =	sand.u32 $0x1, s0;
	s2 =	sshll.u32 s3, $0x1  }
0x7: {  	s15 =	simm.s32 $0xA00;
	s5 =	sor.u32 s0, s2;
	s2 =	simm.s32 $0x0  }
0x8: {  	s13 =	simm.s32 $0xA80;
	s7 =	sadd.s32 $0x1800, s4;
	[smem:$0x7FF] =	sst s2  }
0x9: {  	p1 =	por $0x0, $0x0;
	_ =	strace $0x80000047;
	[dreg:$0x3] =	wrdreg s7  }
0xa: {  	s14 =	simm.s32 $0xB00;
	s12 =	simm.s32 $0xB80;
	[dreg:$0xb] =	wrdreg s24  }
0xb: {  	p0 =	sne.s32 s3, $0x0;
	s19 =	sshll.u32 s0, $0xD;
	[dreg:$0xc] =	wrdreg s25  }
0xc: {  	s0 =	ssub.s32 $0x2, s0;
	s3 =	sshrl.u32 @!p0 s1, $0x3;
	[dreg:$0xd] =	wrdreg s26  }
0xd: {  	s6 =	smul.u32 $0x64000, s5;
	s23 =	sshrl.u32 s0, $0x1;
	[dreg:$0xe] =	wrdreg s29  }
0xe: {  	s5 =	smul.u32 $0x190, s5;
	s0 =	ssub.s32 s0, s23;
	[dreg:$0xf] =	wrdreg s30  }
0xf: {  	s7 =	simm.s32 $0xC80;
	[dreg:$0x10] =	wrdreg s11;
	s26 =	simm.s32 $0x480  }
0x10: {  	s25 =	simm.s32 $0x500;
	s24 =	simm.s32 $0x580;
	s6 =	sshrl.u32 s6, $0x3  }
0x11: {  	s5 =	sadd.s32 s5, s4;
	s0 =	smax.u32 s0, $0x1;
	s6 =	sadd.s32 s6, s4  }
0x12: {  	s5 =	sadd.s32 $0x7A2A00, s5;
	s31 =	sadd.s32 $0xFFFFFFFF, s0;
	s0 =	rddreg [dreg:$0x3]  }
0x13: {  	s23 =	simm.s32 $0x600;
	[dreg:$0x4] =	wrdreg s5;
	s17 =	sadd.s32 $0x7A5C00, s6  }
0x14: {  	s11 =	simm.s32 $0xC00;
	s18 =	sadd.s32 $0x7A8400, s6;
	[dreg:$0x5] =	wrdreg s17  }
0x15: {  	s4 =	sadd.s32 s19, s4;
	s20 =	sadd.s32 $0x7AAC00, s6;
	[dreg:$0x6] =	wrdreg s18  }
0x16: {  	s21 =	sadd.s32 $0x7AD400, s6;
	p2 =	sne.s32 s31, $0x0;
	[dreg:$0x7] =	wrdreg s20  }
.Ltmp0:
0x17: {  	s22 =	sadd.s32 $0x7AFC00, s6;
	[dreg:$0x8] =	wrdreg s21;
	(pc) =	sbr.rel @!p2 .LBB2_1-.Ltmp0, $4  }
0x18: {  	s19 =	simm.s32 $0x800;
	s4 =	sadd.s32 $0x3800, s4;
	[dreg:$0x9] =	wrdreg s22  }
0x19: {  	s5 =	simm.s32 $0x80;
	s6 =	simm.s32 $0x10C80;
	[dreg:$0xa] =	wrdreg s4  }
0x1a: {  	s4 =	simm.s32 $0x1;
	s22 =	simm.s32 $0x680;
	s21 =	simm.s32 $0x700  }
0x1b: {  	s20 =	simm.s32 $0x780;
	s18 =	simm.s32 $0x880;
	s17 =	simm.s32 $0x900  }
0x1c: {  	s30 =	simm.s32 @!p0 $0x1C01;
	s29 =	simm.s32 @!p0 $0x1  }
0x1d: {  	[spmem:s3], [sflag:s30] =	dma.local @!p0 [hbm:s0], $0x2000  }
0x1e: {  	_ =	swait.ge @!p0 [sflag:s29], $0x2000  }
0x1f: {  	[sflag:s29] =	ssyncset.done @!p0 $0x0  }
0x20: {  	s0 =	rddreg [dreg:$0x4];
	[sflag:s29] =	ssyncadd.s32 @!p0 $0xFFFFE000  }
0x21: {  	[tilespmem:s2], [sflag:$0x1] =	stream.linear.gather [hbm4b:s0+s2], $0xC80, $0x38;
	[tilespmem:$0x15C80] =	vst v63  }
0x22: {  	_ =	swait.ge [sflag:s4], $0xC80  }
0x23: {  	[sflag:s4] =	ssyncset.done $0x0  }
0x24: {  	[sflag:s4] =	ssyncadd.s32 $0xFFFFF380  }
0x25: {  	[bflag:$0x0] =	sbarrier.arrive $0xFFFF  }
0x26: {  	s0 =	rddreg [dreg:$0x5]  }
0x27: {  	[tilespmem:s7], [sflag:$0x1] =	stream.linear.gather [hbm4b:s0+s2], $0x14000, $0x38;
	[tilespmem:$0x15C80] =	vst v63  }
0x28: {  	_ =	swait.ge [sflag:s4], $0x14000  }
0x29: {  	[sflag:s4] =	ssyncset.done $0x0  }
0x2a: {  	[sflag:s4] =	ssyncadd.s32 $0xFFFEC000  }
0x2b: {  	[spmem:s1] =	stream.indirect.scatter.add.f32 [tilespmem:s7], [sflag:$0x1], $0x80, s2, s5, $0xb8;
	[tilespmem:$0x15C80] =	vst v63  }
0x2c: {  	_ =	swait.ge [sflag:s4], $0x4000  }
0x2d: {  	[sflag:s4] =	ssyncset.done $0x0  }
0x2e: {  	[sflag:s4] =	ssyncadd.s32 $0xFFFFC000  }
0x2f: {  	[spmem:s1] =	stream.indirect.scatter.add.f32 [tilespmem:s10], [sflag:$0x1], $0x80, s5, s5, $0xb8;
	[tilespmem:$0x15C80] =	vst v63  }
0x30: {  	_ =	swait.ge [sflag:s4], $0x4000  }
0x31: {  	[sflag:s4] =	ssyncset.done $0x0  }
0x32: {  	s0 =	rddreg [dreg:$0xb];
	[sflag:s4] =	ssyncadd.s32 $0xFFFFC000  }
0x33: {  	[spmem:s1] =	stream.indirect.scatter.add.f32 [tilespmem:s9], [sflag:$0x1], $0x80, s0, s5, $0xb8;
	[tilespmem:$0x15C80] =	vst v63  }
0x34: {  	_ =	swait.ge [sflag:s4], $0x4000  }
0x35: {  	[sflag:s4] =	ssyncset.done $0x0  }
0x36: {  	s0 =	rddreg [dreg:$0xc];
	[sflag:s4] =	ssyncadd.s32 $0xFFFFC000  }
0x37: {  	[spmem:s1] =	stream.indirect.scatter.add.f32 [tilespmem:s8], [sflag:$0x1], $0x80, s0, s5, $0xb8;
	[tilespmem:$0x15C80] =	vst v63  }
0x38: {  	_ =	swait.ge [sflag:s4], $0x4000  }
0x39: {  	[sflag:s4] =	ssyncset.done $0x0  }
0x3a: {  	s0 =	rddreg [dreg:$0xd];
	[sflag:s4] =	ssyncadd.s32 $0xFFFFC000  }
0x3b: {  	[spmem:s1] =	stream.indirect.scatter.add.f32 [tilespmem:s6], [sflag:$0x1], $0x80, s0, s5, $0xb8;
	[tilespmem:$0x15C80] =	vst v63  }
0x3c: {  	_ =	swait.ge [sflag:s4], $0x4000  }
0x3d: {  	[sflag:s4] =	ssyncset.done $0x0  }
0x3e: {  	s0 =	rddreg [dreg:$0x6];
	[sflag:s4] =	ssyncadd.s32 $0xFFFFC000  }
0x3f: {  	[tilespmem:s7], [sflag:$0x1] =	stream.linear.gather [hbm4b:s0+s2], $0x14000, $0x38;
	[tilespmem:$0x15C80] =	vst v63  }
0x40: {  	_ =	swait.ge [sflag:s4], $0x14000  }
0x41: {  	[sflag:s4] =	ssyncset.done $0x0  }
0x42: {  	s0 =	rddreg [dreg:$0xe];
	[sflag:s4] =	ssyncadd.s32 $0xFFFEC000  }
0x43: {  	[spmem:s1] =	stream.indirect.scatter.add.f32 [tilespmem:s7], [sflag:$0x1], $0x80, s0, s5, $0xb8;
	[tilespmem:$0x15C80] =	vst v63  }
0x44: {  	_ =	swait.ge [sflag:s4], $0x4000  }
0x45: {  	[sflag:s4] =	ssyncset.done $0x0  }
0x46: {  	s0 =	rddreg [dreg:$0xf];
	[sflag:s4] =	ssyncadd.s32 $0xFFFFC000  }
0x47: {  	[spmem:s1] =	stream.indirect.scatter.add.f32 [tilespmem:s10], [sflag:$0x1], $0x80, s0, s5, $0xb8;
	[tilespmem:$0x15C80] =	vst v63  }
0x48: {  	_ =	swait.ge [sflag:s4], $0x4000  }
0x49: {  	[sflag:s4] =	ssyncset.done $0x0  }
0x4a: {  	s0 =	rddreg [dreg:$0x10];
	[sflag:s4] =	ssyncadd.s32 $0xFFFFC000  }
0x4b: {  	[spmem:s1] =	stream.indirect.scatter.add.f32 [tilespmem:s9], [sflag:$0x1], $0x80, s0, s5, $0xb8;
	[tilespmem:$0x15C80] =	vst v63  }
0x4c: {  	_ =	swait.ge [sflag:s4], $0x4000  }
0x4d: {  	[sflag:s4] =	ssyncset.done $0x0  }
0x4e: {  	[sflag:s4] =	ssyncadd.s32 $0xFFFFC000  }
0x4f: {  	[spmem:s1] =	stream.indirect.scatter.add.f32 [tilespmem:s8], [sflag:$0x1], $0x80, s28, s5, $0xb8;
	[tilespmem:$0x15C80] =	vst v63  }
0x50: {  	_ =	swait.ge [sflag:s4], $0x4000  }
0x51: {  	[sflag:s4] =	ssyncset.done $0x0  }
0x52: {  	[sflag:s4] =	ssyncadd.s32 $0xFFFFC000  }
0x53: {  	[spmem:s1] =	stream.indirect.scatter.add.f32 [tilespmem:s6], [sflag:$0x1], $0x80, s26, s5, $0xb8;
	[tilespmem:$0x15C80] =	vst v63  }
0x54: {  	_ =	swait.ge [sflag:s4], $0x4000  }
0x55: {  	[sflag:s4] =	ssyncset.done $0x0  }
0x56: {  	s0 =	rddreg [dreg:$0x7];
	[sflag:s4] =	ssyncadd.s32 $0xFFFFC000  }
0x57: {  	[tilespmem:s7], [sflag:$0x1] =	stream.linear.gather [hbm4b:s0+s2], $0x14000, $0x38;
	[tilespmem:$0x15C80] =	vst v63  }
0x58: {  	_ =	swait.ge [sflag:s4], $0x14000  }
0x59: {  	[sflag:s4] =	ssyncset.done $0x0  }
0x5a: {  	[sflag:s4] =	ssyncadd.s32 $0xFFFEC000  }
0x5b: {  	[spmem:s1] =	stream.indirect.scatter.add.f32 [tilespmem:s7], [sflag:$0x1], $0x80, s25, s5, $0xb8;
	[tilespmem:$0x15C80] =	vst v63  }
0x5c: {  	_ =	swait.ge [sflag:s4], $0x4000  }
0x5d: {  	[sflag:s4] =	ssyncset.done $0x0  }
0x5e: {  	[sflag:s4] =	ssyncadd.s32 $0xFFFFC000  }
0x5f: {  	[spmem:s1] =	stream.indirect.scatter.add.f32 [tilespmem:s10], [sflag:$0x1], $0x80, s24, s5, $0xb8;
	[tilespmem:$0x15C80] =	vst v63  }
0x60: {  	_ =	swait.ge [sflag:s4], $0x4000  }
0x61: {  	[sflag:s4] =	ssyncset.done $0x0  }
0x62: {  	[sflag:s4] =	ssyncadd.s32 $0xFFFFC000  }
0x63: {  	[spmem:s1] =	stream.indirect.scatter.add.f32 [tilespmem:s9], [sflag:$0x1], $0x80, s23, s5, $0xb8;
	[tilespmem:$0x15C80] =	vst v63  }
0x64: {  	_ =	swait.ge [sflag:s4], $0x4000  }
0x65: {  	[sflag:s4] =	ssyncset.done $0x0  }
0x66: {  	[sflag:s4] =	ssyncadd.s32 $0xFFFFC000  }
0x67: {  	[spmem:s1] =	stream.indirect.scatter.add.f32 [tilespmem:s8], [sflag:$0x1], $0x80, s22, s5, $0xb8;
	[tilespmem:$0x15C80] =	vst v63  }
0x68: {  	_ =	swait.ge [sflag:s4], $0x4000  }
0x69: {  	[sflag:s4] =	ssyncset.done $0x0  }
0x6a: {  	[sflag:s4] =	ssyncadd.s32 $0xFFFFC000  }
0x6b: {  	[spmem:s1] =	stream.indirect.scatter.add.f32 [tilespmem:s6], [sflag:$0x1], $0x80, s21, s5, $0xb8;
	[tilespmem:$0x15C80] =	vst v63  }
0x6c: {  	_ =	swait.ge [sflag:s4], $0x4000  }
0x6d: {  	[sflag:s4] =	ssyncset.done $0x0  }
0x6e: {  	s0 =	rddreg [dreg:$0x8];
	[sflag:s4] =	ssyncadd.s32 $0xFFFFC000  }
0x6f: {  	[tilespmem:s7], [sflag:$0x1] =	stream.linear.gather [hbm4b:s0+s2], $0x14000, $0x38;
	[tilespmem:$0x15C80] =	vst v63  }
0x70: {  	_ =	swait.ge [sflag:s4], $0x14000  }
0x71: {  	[sflag:s4] =	ssyncset.done $0x0  }
0x72: {  	[sflag:s4] =	ssyncadd.s32 $0xFFFEC000  }
0x73: {  	[spmem:s1] =	stream.indirect.scatter.add.f32 [tilespmem:s7], [sflag:$0x1], $0x80, s20, s5, $0xb8;
	[tilespmem:$0x15C80] =	vst v63  }
0x74: {  	_ =	swait.ge [sflag:s4], $0x4000  }
0x75: {  	[sflag:s4] =	ssyncset.done $0x0  }
0x76: {  	[sflag:s4] =	ssyncadd.s32 $0xFFFFC000  }
0x77: {  	[spmem:s1] =	stream.indirect.scatter.add.f32 [tilespmem:s10], [sflag:$0x1], $0x80, s19, s5, $0xb8;
	[tilespmem:$0x15C80] =	vst v63  }
0x78: {  	_ =	swait.ge [sflag:s4], $0x4000  }
0x79: {  	[sflag:s4] =	ssyncset.done $0x0  }
0x7a: {  	[sflag:s4] =	ssyncadd.s32 $0xFFFFC000  }
0x7b: {  	[spmem:s1] =	stream.indirect.scatter.add.f32 [tilespmem:s9], [sflag:$0x1], $0x80, s18, s5, $0xb8;
	[tilespmem:$0x15C80] =	vst v63  }
0x7c: {  	_ =	swait.ge [sflag:s4], $0x4000  }
0x7d: {  	[sflag:s4] =	ssyncset.done $0x0  }
0x7e: {  	[sflag:s4] =	ssyncadd.s32 $0xFFFFC000  }
0x7f: {  	[spmem:s1] =	stream.indirect.scatter.add.f32 [tilespmem:s8], [sflag:$0x1], $0x80, s17, s5, $0xb8;
	[tilespmem:$0x15C80] =	vst v63  }
0x80: {  	_ =	swait.ge [sflag:s4], $0x4000  }
0x81: {  	[sflag:s4] =	ssyncset.done $0x0  }
0x82: {  	[sflag:s4] =	ssyncadd.s32 $0xFFFFC000  }
0x83: {  	[spmem:s1] =	stream.indirect.scatter.add.f32 [tilespmem:s6], [sflag:$0x1], $0x80, s16, s5, $0xb8;
	[tilespmem:$0x15C80] =	vst v63  }
0x84: {  	_ =	swait.ge [sflag:s4], $0x4000  }
0x85: {  	[sflag:s4] =	ssyncset.done $0x0  }
0x86: {  	s0 =	rddreg [dreg:$0x9];
	[sflag:s4] =	ssyncadd.s32 $0xFFFFC000  }
0x87: {  	[tilespmem:s7], [sflag:$0x1] =	stream.linear.gather [hbm4b:s0+s2], $0x14000, $0x38;
	[tilespmem:$0x15C80] =	vst v63  }
0x88: {  	_ =	swait.ge [sflag:s4], $0x14000  }
0x89: {  	[sflag:s4] =	ssyncset.done $0x0  }
0x8a: {  	[sflag:s4] =	ssyncadd.s32 $0xFFFEC000  }
0x8b: {  	[spmem:s1] =	stream.indirect.scatter.add.f32 [tilespmem:s7], [sflag:$0x1], $0x80, s15, s5, $0xb8;
	[tilespmem:$0x15C80] =	vst v63  }
0x8c: {  	_ =	swait.ge [sflag:s4], $0x4000  }
0x8d: {  	[sflag:s4] =	ssyncset.done $0x0  }
0x8e: {  	[sflag:s4] =	ssyncadd.s32 $0xFFFFC000  }
0x8f: {  	[spmem:s1] =	stream.indirect.scatter.add.f32 [tilespmem:s10], [sflag:$0x1], $0x80, s13, s5, $0xb8;
	[tilespmem:$0x15C80] =	vst v63  }
0x90: {  	_ =	swait.ge [sflag:s4], $0x4000  }
0x91: {  	[sflag:s4] =	ssyncset.done $0x0  }
0x92: {  	[sflag:s4] =	ssyncadd.s32 $0xFFFFC000  }
0x93: {  	[spmem:s1] =	stream.indirect.scatter.add.f32 [tilespmem:s9], [sflag:$0x1], $0x80, s14, s5, $0xb8;
	[tilespmem:$0x15C80] =	vst v63  }
0x94: {  	_ =	swait.ge [sflag:s4], $0x4000  }
0x95: {  	[sflag:s4] =	ssyncset.done $0x0  }
0x96: {  	[sflag:s4] =	ssyncadd.s32 $0xFFFFC000  }
0x97: {  	[spmem:s1] =	stream.indirect.scatter.add.f32 [tilespmem:s8], [sflag:$0x1], $0x80, s12, s5, $0xb8;
	[tilespmem:$0x15C80] =	vst v63  }
0x98: {  	_ =	swait.ge [sflag:s4], $0x4000  }
0x99: {  	[sflag:s4] =	ssyncset.done $0x0  }
0x9a: {  	[sflag:s4] =	ssyncadd.s32 $0xFFFFC000  }
0x9b: {  	[spmem:s1] =	stream.indirect.scatter.add.f32 [tilespmem:s6], [sflag:$0x1], $0x80, s11, s5, $0xb8;
	[tilespmem:$0x15C80] =	vst v63  }
0x9c: {  	_ =	swait.ge [sflag:s4], $0x4000  }
0x9d: {  	s31 =	sadd.s32 $0xFFFFFFFF, s31;
	[sflag:s4] =	ssyncset.done $0x0  }
0x9e: {  	p2 =	sne.s32 s31, $0x0;
	[sflag:s4] =	ssyncadd.s32 $0xFFFFC000  }
.Ltmp1:
0x9f: {  	[bflag:$0x0] =	sbarrier.arrive $0xFFFF;
	(pc) =	sbr.rel @!p2 .LBB2_4-.Ltmp1, $4  }
0xa0: {  	s0 =	rddreg [dreg:$0xa]  }
0xa1: {  	[hbm:s0], [sflag:s30] =	dma.local @!p0 [spmem:s3], $0x2000  }
0xa2: {  	_ =	swait.ge @!p0 [sflag:s29], $0x2000  }
0xa3: {  	p1 =	por $0x1, $0x1;
	s0 =	rddreg [dreg:$0x3];
	[sflag:s29] =	ssyncset.done @!p0 $0x0  }
.LBB2_3:
0xa4: {  	[sflag:s29] =	ssyncadd.s32 @!p0 $0xFFFFE000  }
0xa5: {  	[spmem:s3], [sflag:s30] =	dma.local @!p0 [hbm:s0], $0x2000  }
0xa6: {  	_ =	swait.ge @!p0 [sflag:s29], $0x2000  }
0xa7: {  	[sflag:s29] =	ssyncset.done @!p0 $0x0  }
0xa8: {  	s0 =	rddreg [dreg:$0x4];
	[sflag:s29] =	ssyncadd.s32 @!p0 $0xFFFFE000  }
0xa9: {  	[tilespmem:s2], [sflag:$0x1] =	stream.linear.gather [hbm4b:s0+s2], $0xC80, $0x38;
	[tilespmem:$0x15C80] =	vst v63  }
0xaa: {  	_ =	swait.ge [sflag:s4], $0xC80  }
0xab: {  	[sflag:s4] =	ssyncset.done $0x0  }
0xac: {  	[sflag:s4] =	ssyncadd.s32 $0xFFFFF380  }
0xad: {  	[bflag:$0x0] =	sbarrier.arrive $0xFFFF  }
0xae: {  	s0 =	rddreg [dreg:$0x5]  }
0xaf: {  	[tilespmem:s7], [sflag:$0x1] =	stream.linear.gather [hbm4b:s0+s2], $0x14000, $0x38;
	[tilespmem:$0x15C80] =	vst v63  }
0xb0: {  	_ =	swait.ge [sflag:s4], $0x14000  }
0xb1: {  	[sflag:s4] =	ssyncset.done $0x0  }
0xb2: {  	[sflag:s4] =	ssyncadd.s32 $0xFFFEC000  }
0xb3: {  	[spmem:s1] =	stream.indirect.scatter.add.f32 [tilespmem:s7], [sflag:$0x1], $0x80, s2, s5, $0xb8;
	[tilespmem:$0x15C80] =	vst v63  }
0xb4: {  	_ =	swait.ge [sflag:s4], $0x4000  }
0xb5: {  	[sflag:s4] =	ssyncset.done $0x0  }
0xb6: {  	[sflag:s4] =	ssyncadd.s32 $0xFFFFC000  }
0xb7: {  	[spmem:s1] =	stream.indirect.scatter.add.f32 [tilespmem:s10], [sflag:$0x1], $0x80, s5, s5, $0xb8;
	[tilespmem:$0x15C80] =	vst v63  }
0xb8: {  	_ =	swait.ge [sflag:s4], $0x4000  }
0xb9: {  	[sflag:s4] =	ssyncset.done $0x0  }
0xba: {  	s0 =	rddreg [dreg:$0xb];
	[sflag:s4] =	ssyncadd.s32 $0xFFFFC000  }
0xbb: {  	[spmem:s1] =	stream.indirect.scatter.add.f32 [tilespmem:s9], [sflag:$0x1], $0x80, s0, s5, $0xb8;
	[tilespmem:$0x15C80] =	vst v63  }
0xbc: {  	_ =	swait.ge [sflag:s4], $0x4000  }
0xbd: {  	[sflag:s4] =	ssyncset.done $0x0  }
0xbe: {  	s0 =	rddreg [dreg:$0xc];
	[sflag:s4] =	ssyncadd.s32 $0xFFFFC000  }
0xbf: {  	[spmem:s1] =	stream.indirect.scatter.add.f32 [tilespmem:s8], [sflag:$0x1], $0x80, s0, s5, $0xb8;
	[tilespmem:$0x15C80] =	vst v63  }
0xc0: {  	_ =	swait.ge [sflag:s4], $0x4000  }
0xc1: {  	[sflag:s4] =	ssyncset.done $0x0  }
0xc2: {  	s0 =	rddreg [dreg:$0xd];
	[sflag:s4] =	ssyncadd.s32 $0xFFFFC000  }
0xc3: {  	[spmem:s1] =	stream.indirect.scatter.add.f32 [tilespmem:s6], [sflag:$0x1], $0x80, s0, s5, $0xb8;
	[tilespmem:$0x15C80] =	vst v63  }
0xc4: {  	_ =	swait.ge [sflag:s4], $0x4000  }
0xc5: {  	[sflag:s4] =	ssyncset.done $0x0  }
0xc6: {  	s0 =	rddreg [dreg:$0x6];
	[sflag:s4] =	ssyncadd.s32 $0xFFFFC000  }
0xc7: {  	[tilespmem:s7], [sflag:$0x1] =	stream.linear.gather [hbm4b:s0+s2], $0x14000, $0x38;
	[tilespmem:$0x15C80] =	vst v63  }
0xc8: {  	_ =	swait.ge [sflag:s4], $0x14000  }
0xc9: {  	[sflag:s4] =	ssyncset.done $0x0  }
0xca: {  	s0 =	rddreg [dreg:$0xe];
	[sflag:s4] =	ssyncadd.s32 $0xFFFEC000  }
0xcb: {  	[spmem:s1] =	stream.indirect.scatter.add.f32 [tilespmem:s7], [sflag:$0x1], $0x80, s0, s5, $0xb8;
	[tilespmem:$0x15C80] =	vst v63  }
0xcc: {  	_ =	swait.ge [sflag:s4], $0x4000  }
0xcd: {  	[sflag:s4] =	ssyncset.done $0x0  }
0xce: {  	s0 =	rddreg [dreg:$0xf];
	[sflag:s4] =	ssyncadd.s32 $0xFFFFC000  }
0xcf: {  	[spmem:s1] =	stream.indirect.scatter.add.f32 [tilespmem:s10], [sflag:$0x1], $0x80, s0, s5, $0xb8;
	[tilespmem:$0x15C80] =	vst v63  }
0xd0: {  	_ =	swait.ge [sflag:s4], $0x4000  }
0xd1: {  	[sflag:s4] =	ssyncset.done $0x0  }
0xd2: {  	s0 =	rddreg [dreg:$0x10];
	[sflag:s4] =	ssyncadd.s32 $0xFFFFC000  }
0xd3: {  	[spmem:s1] =	stream.indirect.scatter.add.f32 [tilespmem:s9], [sflag:$0x1], $0x80, s0, s5, $0xb8;
	[tilespmem:$0x15C80] =	vst v63  }
0xd4: {  	_ =	swait.ge [sflag:s4], $0x4000  }
0xd5: {  	[sflag:s4] =	ssyncset.done $0x0  }
0xd6: {  	[sflag:s4] =	ssyncadd.s32 $0xFFFFC000  }
0xd7: {  	[spmem:s1] =	stream.indirect.scatter.add.f32 [tilespmem:s8], [sflag:$0x1], $0x80, s28, s5, $0xb8;
	[tilespmem:$0x15C80] =	vst v63  }
0xd8: {  	_ =	swait.ge [sflag:s4], $0x4000  }
0xd9: {  	[sflag:s4] =	ssyncset.done $0x0  }
0xda: {  	[sflag:s4] =	ssyncadd.s32 $0xFFFFC000  }
0xdb: {  	[spmem:s1] =	stream.indirect.scatter.add.f32 [tilespmem:s6], [sflag:$0x1], $0x80, s26, s5, $0xb8;
	[tilespmem:$0x15C80] =	vst v63  }
0xdc: {  	_ =	swait.ge [sflag:s4], $0x4000  }
0xdd: {  	[sflag:s4] =	ssyncset.done $0x0  }
0xde: {  	s0 =	rddreg [dreg:$0x7];
	[sflag:s4] =	ssyncadd.s32 $0xFFFFC000  }
0xdf: {  	[tilespmem:s7], [sflag:$0x1] =	stream.linear.gather [hbm4b:s0+s2], $0x14000, $0x38;
	[tilespmem:$0x15C80] =	vst v63  }
0xe0: {  	_ =	swait.ge [sflag:s4], $0x14000  }
0xe1: {  	[sflag:s4] =	ssyncset.done $0x0  }
0xe2: {  	[sflag:s4] =	ssyncadd.s32 $0xFFFEC000  }
0xe3: {  	[spmem:s1] =	stream.indirect.scatter.add.f32 [tilespmem:s7], [sflag:$0x1], $0x80, s25, s5, $0xb8;
	[tilespmem:$0x15C80] =	vst v63  }
0xe4: {  	_ =	swait.ge [sflag:s4], $0x4000  }
0xe5: {  	[sflag:s4] =	ssyncset.done $0x0  }
0xe6: {  	[sflag:s4] =	ssyncadd.s32 $0xFFFFC000  }
0xe7: {  	[spmem:s1] =	stream.indirect.scatter.add.f32 [tilespmem:s10], [sflag:$0x1], $0x80, s24, s5, $0xb8;
	[tilespmem:$0x15C80] =	vst v63  }
0xe8: {  	_ =	swait.ge [sflag:s4], $0x4000  }
0xe9: {  	[sflag:s4] =	ssyncset.done $0x0  }
0xea: {  	[sflag:s4] =	ssyncadd.s32 $0xFFFFC000  }
0xeb: {  	[spmem:s1] =	stream.indirect.scatter.add.f32 [tilespmem:s9], [sflag:$0x1], $0x80, s23, s5, $0xb8;
	[tilespmem:$0x15C80] =	vst v63  }
0xec: {  	_ =	swait.ge [sflag:s4], $0x4000  }
0xed: {  	[sflag:s4] =	ssyncset.done $0x0  }
0xee: {  	[sflag:s4] =	ssyncadd.s32 $0xFFFFC000  }
0xef: {  	[spmem:s1] =	stream.indirect.scatter.add.f32 [tilespmem:s8], [sflag:$0x1], $0x80, s22, s5, $0xb8;
	[tilespmem:$0x15C80] =	vst v63  }
0xf0: {  	_ =	swait.ge [sflag:s4], $0x4000  }
0xf1: {  	[sflag:s4] =	ssyncset.done $0x0  }
0xf2: {  	[sflag:s4] =	ssyncadd.s32 $0xFFFFC000  }
0xf3: {  	[spmem:s1] =	stream.indirect.scatter.add.f32 [tilespmem:s6], [sflag:$0x1], $0x80, s21, s5, $0xb8;
	[tilespmem:$0x15C80] =	vst v63  }
0xf4: {  	_ =	swait.ge [sflag:s4], $0x4000  }
0xf5: {  	[sflag:s4] =	ssyncset.done $0x0  }
0xf6: {  	s0 =	rddreg [dreg:$0x8];
	[sflag:s4] =	ssyncadd.s32 $0xFFFFC000  }
0xf7: {  	[tilespmem:s7], [sflag:$0x1] =	stream.linear.gather [hbm4b:s0+s2], $0x14000, $0x38;
	[tilespmem:$0x15C80] =	vst v63  }
0xf8: {  	_ =	swait.ge [sflag:s4], $0x14000  }
0xf9: {  	[sflag:s4] =	ssyncset.done $0x0  }
0xfa: {  	[sflag:s4] =	ssyncadd.s32 $0xFFFEC000  }
0xfb: {  	[spmem:s1] =	stream.indirect.scatter.add.f32 [tilespmem:s7], [sflag:$0x1], $0x80, s20, s5, $0xb8;
	[tilespmem:$0x15C80] =	vst v63  }
0xfc: {  	_ =	swait.ge [sflag:s4], $0x4000  }
0xfd: {  	[sflag:s4] =	ssyncset.done $0x0  }
0xfe: {  	[sflag:s4] =	ssyncadd.s32 $0xFFFFC000  }
0xff: {  	[spmem:s1] =	stream.indirect.scatter.add.f32 [tilespmem:s10], [sflag:$0x1], $0x80, s19, s5, $0xb8;
	[tilespmem:$0x15C80] =	vst v63  }
0x100: {  	_ =	swait.ge [sflag:s4], $0x4000  }
0x101: {  	[sflag:s4] =	ssyncset.done $0x0  }
0x102: {  	[sflag:s4] =	ssyncadd.s32 $0xFFFFC000  }
0x103: {  	[spmem:s1] =	stream.indirect.scatter.add.f32 [tilespmem:s9], [sflag:$0x1], $0x80, s18, s5, $0xb8;
	[tilespmem:$0x15C80] =	vst v63  }
0x104: {  	_ =	swait.ge [sflag:s4], $0x4000  }
0x105: {  	[sflag:s4] =	ssyncset.done $0x0  }
0x106: {  	[sflag:s4] =	ssyncadd.s32 $0xFFFFC000  }
0x107: {  	[spmem:s1] =	stream.indirect.scatter.add.f32 [tilespmem:s8], [sflag:$0x1], $0x80, s17, s5, $0xb8;
	[tilespmem:$0x15C80] =	vst v63  }
0x108: {  	_ =	swait.ge [sflag:s4], $0x4000  }
0x109: {  	[sflag:s4] =	ssyncset.done $0x0  }
0x10a: {  	[sflag:s4] =	ssyncadd.s32 $0xFFFFC000  }
0x10b: {  	[spmem:s1] =	stream.indirect.scatter.add.f32 [tilespmem:s6], [sflag:$0x1], $0x80, s16, s5, $0xb8;
	[tilespmem:$0x15C80] =	vst v63  }
0x10c: {  	_ =	swait.ge [sflag:s4], $0x4000  }
0x10d: {  	[sflag:s4] =	ssyncset.done $0x0  }
0x10e: {  	s0 =	rddreg [dreg:$0x9];
	[sflag:s4] =	ssyncadd.s32 $0xFFFFC000  }
0x10f: {  	[tilespmem:s7], [sflag:$0x1] =	stream.linear.gather [hbm4b:s0+s2], $0x14000, $0x38;
	[tilespmem:$0x15C80] =	vst v63  }
0x110: {  	_ =	swait.ge [sflag:s4], $0x14000  }
0x111: {  	[sflag:s4] =	ssyncset.done $0x0  }
0x112: {  	[sflag:s4] =	ssyncadd.s32 $0xFFFEC000  }
0x113: {  	[spmem:s1] =	stream.indirect.scatter.add.f32 [tilespmem:s7], [sflag:$0x1], $0x80, s15, s5, $0xb8;
	[tilespmem:$0x15C80] =	vst v63  }
0x114: {  	_ =	swait.ge [sflag:s4], $0x4000  }
0x115: {  	[sflag:s4] =	ssyncset.done $0x0  }
0x116: {  	[sflag:s4] =	ssyncadd.s32 $0xFFFFC000  }
0x117: {  	[spmem:s1] =	stream.indirect.scatter.add.f32 [tilespmem:s10], [sflag:$0x1], $0x80, s13, s5, $0xb8;
	[tilespmem:$0x15C80] =	vst v63  }
0x118: {  	_ =	swait.ge [sflag:s4], $0x4000  }
0x119: {  	[sflag:s4] =	ssyncset.done $0x0  }
0x11a: {  	[sflag:s4] =	ssyncadd.s32 $0xFFFFC000  }
0x11b: {  	[spmem:s1] =	stream.indirect.scatter.add.f32 [tilespmem:s9], [sflag:$0x1], $0x80, s14, s5, $0xb8;
	[tilespmem:$0x15C80] =	vst v63  }
0x11c: {  	_ =	swait.ge [sflag:s4], $0x4000  }
0x11d: {  	[sflag:s4] =	ssyncset.done $0x0  }
0x11e: {  	[sflag:s4] =	ssyncadd.s32 $0xFFFFC000  }
0x11f: {  	[spmem:s1] =	stream.indirect.scatter.add.f32 [tilespmem:s8], [sflag:$0x1], $0x80, s12, s5, $0xb8;
	[tilespmem:$0x15C80] =	vst v63  }
0x120: {  	_ =	swait.ge [sflag:s4], $0x4000  }
0x121: {  	[sflag:s4] =	ssyncset.done $0x0  }
0x122: {  	[sflag:s4] =	ssyncadd.s32 $0xFFFFC000  }
0x123: {  	[spmem:s1] =	stream.indirect.scatter.add.f32 [tilespmem:s6], [sflag:$0x1], $0x80, s11, s5, $0xb8;
	[tilespmem:$0x15C80] =	vst v63  }
0x124: {  	_ =	swait.ge [sflag:s4], $0x4000  }
0x125: {  	s31 =	sadd.s32 $0xFFFFFFFF, s31;
	[sflag:s4] =	ssyncset.done $0x0  }
0x126: {  	p2 =	sne.s32 s31, $0x0;
	[sflag:s4] =	ssyncadd.s32 $0xFFFFC000  }
.Ltmp2:
0x127: {  	[bflag:$0x0] =	sbarrier.arrive $0xFFFF;
	(pc) =	sbr.rel @p2 .LBB2_3-.Ltmp2, $4  }
0x128: {  	s0 =	rddreg [dreg:$0xa]  }
0x129: {  	[hbm:s0], [sflag:s30] =	dma.local @!p0 [spmem:s3], $0x2000  }
0x12a: {  	_ =	swait.ge @!p0 [sflag:s29], $0x2000  }
0x12b: {  	s0 =	rddreg [dreg:$0x3];
	[sflag:s29] =	ssyncset.done @!p0 $0x0  }
.LBB2_4:
0x12c: {  	p1 =	por p0, !p1  }
0x12d: {  	s30 =	simm.s32 @!p0 $0x1C01;
	[sflag:s29] =	ssyncadd.s32 @!p1 $0xFFFFE000;
	s29 =	simm.s32 @!p0 $0x1  }
0x12e: {  	[spmem:s3], [sflag:s30] =	dma.local @!p0 [hbm:s0], $0x2000  }
0x12f: {  	_ =	swait.ge @!p0 [sflag:s29], $0x2000  }
0x130: {  	[sflag:s29] =	ssyncset.done @!p0 $0x0  }
0x131: {  	s31 =	rddreg [dreg:$0x4];
	[sflag:s29] =	ssyncadd.s32 @!p0 $0xFFFFE000  }
0x132: {  	[tilespmem:s2], [sflag:$0x1] =	stream.linear.gather [hbm4b:s31+s2], $0xC80, $0x38;
	[tilespmem:$0x15C80] =	vst v63  }
0x133: {  	_ =	swait.ge [sflag:s4], $0xC80  }
0x134: {  	[sflag:s4] =	ssyncset.done $0x0  }
0x135: {  	[sflag:s4] =	ssyncadd.s32 $0xFFFFF380  }
0x136: {  	[bflag:$0x0] =	sbarrier.arrive $0xFFFF  }
0x137: {  	s31 =	rddreg [dreg:$0x5]  }
0x138: {  	[tilespmem:s7], [sflag:$0x1] =	stream.linear.gather [hbm4b:s31+s2], $0x14000, $0x38;
	[tilespmem:$0x15C80] =	vst v63  }
0x139: {  	_ =	swait.ge [sflag:s4], $0x14000  }
0x13a: {  	[sflag:s4] =	ssyncset.done $0x0  }
0x13b: {  	[sflag:s4] =	ssyncadd.s32 $0xFFFEC000  }
0x13c: {  	[spmem:s1] =	stream.indirect.scatter.add.f32 [tilespmem:s7], [sflag:$0x1], $0x80, s2, s5, $0xb8;
	[tilespmem:$0x15C80] =	vst v63  }
0x13d: {  	_ =	swait.ge [sflag:s4], $0x4000  }
0x13e: {  	[sflag:s4] =	ssyncset.done $0x0  }
0x13f: {  	[sflag:s4] =	ssyncadd.s32 $0xFFFFC000  }
0x140: {  	[spmem:s1] =	stream.indirect.scatter.add.f32 [tilespmem:s10], [sflag:$0x1], $0x80, s5, s5, $0xb8;
	[tilespmem:$0x15C80] =	vst v63  }
0x141: {  	_ =	swait.ge [sflag:s4], $0x4000  }
0x142: {  	[sflag:s4] =	ssyncset.done $0x0  }
0x143: {  	s31 =	rddreg [dreg:$0xb];
	[sflag:s4] =	ssyncadd.s32 $0xFFFFC000  }
0x144: {  	[spmem:s1] =	stream.indirect.scatter.add.f32 [tilespmem:s9], [sflag:$0x1], $0x80, s31, s5, $0xb8;
	[tilespmem:$0x15C80] =	vst v63  }
0x145: {  	_ =	swait.ge [sflag:s4], $0x4000  }
0x146: {  	[sflag:s4] =	ssyncset.done $0x0  }
0x147: {  	s31 =	rddreg [dreg:$0xc];
	[sflag:s4] =	ssyncadd.s32 $0xFFFFC000  }
0x148: {  	[spmem:s1] =	stream.indirect.scatter.add.f32 [tilespmem:s8], [sflag:$0x1], $0x80, s31, s5, $0xb8;
	[tilespmem:$0x15C80] =	vst v63  }
0x149: {  	_ =	swait.ge [sflag:s4], $0x4000  }
0x14a: {  	[sflag:s4] =	ssyncset.done $0x0  }
0x14b: {  	s31 =	rddreg [dreg:$0xd];
	[sflag:s4] =	ssyncadd.s32 $0xFFFFC000  }
0x14c: {  	[spmem:s1] =	stream.indirect.scatter.add.f32 [tilespmem:s6], [sflag:$0x1], $0x80, s31, s5, $0xb8;
	[tilespmem:$0x15C80] =	vst v63  }
0x14d: {  	_ =	swait.ge [sflag:s4], $0x4000  }
0x14e: {  	[sflag:s4] =	ssyncset.done $0x0  }
0x14f: {  	s31 =	rddreg [dreg:$0x6];
	[sflag:s4] =	ssyncadd.s32 $0xFFFFC000  }
0x150: {  	[tilespmem:s7], [sflag:$0x1] =	stream.linear.gather [hbm4b:s31+s2], $0x14000, $0x38;
	[tilespmem:$0x15C80] =	vst v63  }
0x151: {  	_ =	swait.ge [sflag:s4], $0x14000  }
0x152: {  	[sflag:s4] =	ssyncset.done $0x0  }
0x153: {  	s31 =	rddreg [dreg:$0xe];
	[sflag:s4] =	ssyncadd.s32 $0xFFFEC000  }
0x154: {  	[spmem:s1] =	stream.indirect.scatter.add.f32 [tilespmem:s7], [sflag:$0x1], $0x80, s31, s5, $0xb8;
	[tilespmem:$0x15C80] =	vst v63  }
0x155: {  	_ =	swait.ge [sflag:s4], $0x4000  }
0x156: {  	[sflag:s4] =	ssyncset.done $0x0  }
0x157: {  	s31 =	rddreg [dreg:$0xf];
	[sflag:s4] =	ssyncadd.s32 $0xFFFFC000  }
0x158: {  	[spmem:s1] =	stream.indirect.scatter.add.f32 [tilespmem:s10], [sflag:$0x1], $0x80, s31, s5, $0xb8;
	[tilespmem:$0x15C80] =	vst v63  }
0x159: {  	_ =	swait.ge [sflag:s4], $0x4000  }
0x15a: {  	[sflag:s4] =	ssyncset.done $0x0  }
0x15b: {  	s31 =	rddreg [dreg:$0x10];
	[sflag:s4] =	ssyncadd.s32 $0xFFFFC000  }
0x15c: {  	[spmem:s1] =	stream.indirect.scatter.add.f32 [tilespmem:s9], [sflag:$0x1], $0x80, s31, s5, $0xb8;
	[tilespmem:$0x15C80] =	vst v63  }
0x15d: {  	_ =	swait.ge [sflag:s4], $0x4000  }
0x15e: {  	[sflag:s4] =	ssyncset.done $0x0  }
0x15f: {  	[sflag:s4] =	ssyncadd.s32 $0xFFFFC000  }
0x160: {  	[spmem:s1] =	stream.indirect.scatter.add.f32 [tilespmem:s8], [sflag:$0x1], $0x80, s28, s5, $0xb8;
	[tilespmem:$0x15C80] =	vst v63  }
0x161: {  	_ =	swait.ge [sflag:s4], $0x4000  }
0x162: {  	[sflag:s4] =	ssyncset.done $0x0  }
0x163: {  	[sflag:s4] =	ssyncadd.s32 $0xFFFFC000  }
0x164: {  	[spmem:s1] =	stream.indirect.scatter.add.f32 [tilespmem:s6], [sflag:$0x1], $0x80, s26, s5, $0xb8;
	[tilespmem:$0x15C80] =	vst v63  }
0x165: {  	_ =	swait.ge [sflag:s4], $0x4000  }
0x166: {  	[sflag:s4] =	ssyncset.done $0x0  }
0x167: {  	s26 =	rddreg [dreg:$0x7];
	[sflag:s4] =	ssyncadd.s32 $0xFFFFC000  }
0x168: {  	[tilespmem:s7], [sflag:$0x1] =	stream.linear.gather [hbm4b:s26+s2], $0x14000, $0x38;
	[tilespmem:$0x15C80] =	vst v63  }
0x169: {  	_ =	swait.ge [sflag:s4], $0x14000  }
0x16a: {  	[sflag:s4] =	ssyncset.done $0x0  }
0x16b: {  	[sflag:s4] =	ssyncadd.s32 $0xFFFEC000  }
0x16c: {  	[spmem:s1] =	stream.indirect.scatter.add.f32 [tilespmem:s7], [sflag:$0x1], $0x80, s25, s5, $0xb8;
	[tilespmem:$0x15C80] =	vst v63  }
0x16d: {  	_ =	swait.ge [sflag:s4], $0x4000  }
0x16e: {  	[sflag:s4] =	ssyncset.done $0x0  }
0x16f: {  	[sflag:s4] =	ssyncadd.s32 $0xFFFFC000  }
0x170: {  	[spmem:s1] =	stream.indirect.scatter.add.f32 [tilespmem:s10], [sflag:$0x1], $0x80, s24, s5, $0xb8;
	[tilespmem:$0x15C80] =	vst v63  }
0x171: {  	_ =	swait.ge [sflag:s4], $0x4000  }
0x172: {  	[sflag:s4] =	ssyncset.done $0x0  }
0x173: {  	[sflag:s4] =	ssyncadd.s32 $0xFFFFC000  }
0x174: {  	[spmem:s1] =	stream.indirect.scatter.add.f32 [tilespmem:s9], [sflag:$0x1], $0x80, s23, s5, $0xb8;
	[tilespmem:$0x15C80] =	vst v63  }
0x175: {  	_ =	swait.ge [sflag:s4], $0x4000  }
0x176: {  	[sflag:s4] =	ssyncset.done $0x0  }
0x177: {  	[sflag:s4] =	ssyncadd.s32 $0xFFFFC000  }
0x178: {  	[spmem:s1] =	stream.indirect.scatter.add.f32 [tilespmem:s8], [sflag:$0x1], $0x80, s22, s5, $0xb8;
	[tilespmem:$0x15C80] =	vst v63  }
0x179: {  	_ =	swait.ge [sflag:s4], $0x4000  }
0x17a: {  	[sflag:s4] =	ssyncset.done $0x0  }
0x17b: {  	[sflag:s4] =	ssyncadd.s32 $0xFFFFC000  }
0x17c: {  	[spmem:s1] =	stream.indirect.scatter.add.f32 [tilespmem:s6], [sflag:$0x1], $0x80, s21, s5, $0xb8;
	[tilespmem:$0x15C80] =	vst v63  }
0x17d: {  	_ =	swait.ge [sflag:s4], $0x4000  }
0x17e: {  	[sflag:s4] =	ssyncset.done $0x0  }
0x17f: {  	s28 =	rddreg [dreg:$0x8];
	[sflag:s4] =	ssyncadd.s32 $0xFFFFC000  }
0x180: {  	[tilespmem:s7], [sflag:$0x1] =	stream.linear.gather [hbm4b:s28+s2], $0x14000, $0x38;
	[tilespmem:$0x15C80] =	vst v63  }
0x181: {  	_ =	swait.ge [sflag:s4], $0x14000  }
0x182: {  	[sflag:s4] =	ssyncset.done $0x0  }
0x183: {  	[sflag:s4] =	ssyncadd.s32 $0xFFFEC000  }
0x184: {  	[spmem:s1] =	stream.indirect.scatter.add.f32 [tilespmem:s7], [sflag:$0x1], $0x80, s20, s5, $0xb8;
	[tilespmem:$0x15C80] =	vst v63  }
0x185: {  	_ =	swait.ge [sflag:s4], $0x4000  }
0x186: {  	[sflag:s4] =	ssyncset.done $0x0  }
0x187: {  	[sflag:s4] =	ssyncadd.s32 $0xFFFFC000  }
0x188: {  	[spmem:s1] =	stream.indirect.scatter.add.f32 [tilespmem:s10], [sflag:$0x1], $0x80, s19, s5, $0xb8;
	[tilespmem:$0x15C80] =	vst v63  }
0x189: {  	_ =	swait.ge [sflag:s4], $0x4000  }
0x18a: {  	[sflag:s4] =	ssyncset.done $0x0  }
0x18b: {  	[sflag:s4] =	ssyncadd.s32 $0xFFFFC000  }
0x18c: {  	[spmem:s1] =	stream.indirect.scatter.add.f32 [tilespmem:s9], [sflag:$0x1], $0x80, s18, s5, $0xb8;
	[tilespmem:$0x15C80] =	vst v63  }
0x18d: {  	_ =	swait.ge [sflag:s4], $0x4000  }
0x18e: {  	[sflag:s4] =	ssyncset.done $0x0  }
0x18f: {  	[sflag:s4] =	ssyncadd.s32 $0xFFFFC000  }
0x190: {  	[spmem:s1] =	stream.indirect.scatter.add.f32 [tilespmem:s8], [sflag:$0x1], $0x80, s17, s5, $0xb8;
	[tilespmem:$0x15C80] =	vst v63  }
0x191: {  	_ =	swait.ge [sflag:s4], $0x4000  }
0x192: {  	[sflag:s4] =	ssyncset.done $0x0  }
0x193: {  	[sflag:s4] =	ssyncadd.s32 $0xFFFFC000  }
0x194: {  	[spmem:s1] =	stream.indirect.scatter.add.f32 [tilespmem:s6], [sflag:$0x1], $0x80, s16, s5, $0xb8;
	[tilespmem:$0x15C80] =	vst v63  }
0x195: {  	_ =	swait.ge [sflag:s4], $0x4000  }
0x196: {  	[sflag:s4] =	ssyncset.done $0x0  }
0x197: {  	s31 =	rddreg [dreg:$0x9];
	[sflag:s4] =	ssyncadd.s32 $0xFFFFC000  }
0x198: {  	[tilespmem:s7], [sflag:$0x1] =	stream.linear.gather [hbm4b:s31+s2], $0x14000, $0x38;
	[tilespmem:$0x15C80] =	vst v63  }
0x199: {  	_ =	swait.ge [sflag:s4], $0x14000  }
0x19a: {  	[sflag:s4] =	ssyncset.done $0x0  }
0x19b: {  	[sflag:s4] =	ssyncadd.s32 $0xFFFEC000  }
0x19c: {  	[spmem:s1] =	stream.indirect.scatter.add.f32 [tilespmem:s7], [sflag:$0x1], $0x80, s15, s5, $0xb8;
	[tilespmem:$0x15C80] =	vst v63  }
0x19d: {  	_ =	swait.ge [sflag:s4], $0x4000  }
0x19e: {  	[sflag:s4] =	ssyncset.done $0x0  }
0x19f: {  	[sflag:s4] =	ssyncadd.s32 $0xFFFFC000  }
0x1a0: {  	[spmem:s1] =	stream.indirect.scatter.add.f32 [tilespmem:s10], [sflag:$0x1], $0x80, s13, s5, $0xb8;
	[tilespmem:$0x15C80] =	vst v63  }
0x1a1: {  	_ =	swait.ge [sflag:s4], $0x4000  }
0x1a2: {  	[sflag:s4] =	ssyncset.done $0x0  }
0x1a3: {  	[sflag:s4] =	ssyncadd.s32 $0xFFFFC000  }
0x1a4: {  	[spmem:s1] =	stream.indirect.scatter.add.f32 [tilespmem:s9], [sflag:$0x1], $0x80, s14, s5, $0xb8;
	[tilespmem:$0x15C80] =	vst v63  }
0x1a5: {  	_ =	swait.ge [sflag:s4], $0x4000  }
0x1a6: {  	[sflag:s4] =	ssyncset.done $0x0  }
0x1a7: {  	[sflag:s4] =	ssyncadd.s32 $0xFFFFC000  }
0x1a8: {  	[spmem:s1] =	stream.indirect.scatter.add.f32 [tilespmem:s8], [sflag:$0x1], $0x80, s12, s5, $0xb8;
	[tilespmem:$0x15C80] =	vst v63  }
0x1a9: {  	_ =	swait.ge [sflag:s4], $0x4000  }
0x1aa: {  	[sflag:s4] =	ssyncset.done $0x0  }
0x1ab: {  	[sflag:s4] =	ssyncadd.s32 $0xFFFFC000  }
0x1ac: {  	[spmem:s1] =	stream.indirect.scatter.add.f32 [tilespmem:s6], [sflag:$0x1], $0x80, s11, s5, $0xb8;
	[tilespmem:$0x15C80] =	vst v63  }
0x1ad: {  	_ =	swait.ge [sflag:s4], $0x4000  }
0x1ae: {  	[sflag:s4] =	ssyncset.done $0x0  }
0x1af: {  	[sflag:s4] =	ssyncadd.s32 $0xFFFFC000  }
0x1b0: {  	[bflag:$0x0] =	sbarrier.arrive $0xFFFF  }
0x1b1: {  	s0 =	rddreg [dreg:$0xa]  }
0x1b2: {  	[hbm:s0], [sflag:s30] =	dma.local @!p0 [spmem:s3], $0x2000  }
0x1b3: {  	_ =	swait.ge @!p0 [sflag:s29], $0x2000  }
0x1b4: {  	[sflag:s29] =	ssyncset.done @!p0 $0x0  }
0x1b5: {  	[sflag:s29] =	ssyncadd.s32 @!p0 $0xFFFFE000  }
0x1b6: {  	_ =	sfence.sel $0x180000  }
0x1b7: {  	[bflag:$0x0] =	sbarrier.arrive $0xFFFF  }
0x1b8: {  	_ =	strace $0x90000047  }
0x1b9: {  	[bflag:$0x2] =	sbarrier.arrive $0xFFFF  }
0x1ba: {  	s0 =	rddreg [dreg:$0x2]  }
0x1bb: {  	s0 =	sadd.s32 @!p0 $0x100000, s0  }
0x1bc: {  	[sflag:s0] =	ssyncadd.tile.s32 @!p0 $0x1;
	_ =	shalt  }
.LBB2_1:
.Ltmp3:
0x1bd: {  	(pc) =	sbr.rel .LBB2_4-.Ltmp3, $2  }
0x1be: {  	_ =	sdelay $0x2  }
0x1bf: {  	_ = 	snop  }
.Lfunc_end2:
_tile_overlayer_lowered:
.L_overlay_start_2:
0x1c0: {  	(tag) =	ssettag $0x2  }
0x1c1: {  	s0 =	rddreg [dreg:$0x0];
	s2 =	stileid.u32  }
0x1c2: {  	s1 =	rddreg [dreg:$0x1];
	p0 =	sne.s32 s2, $0x0  }
0x1c3: {  	s3 =	rddreg [dreg:$0x2];
	[bflag:$0x3] =	sbarrier.arrive $0xFFFF;
	s2 =	simm.s32 @!p0 $0x1C01  }
0x1c4: {  	[timem:s3], [sflag:s2] =	dma.local @!p0 [hbm:s0], s1  }
0x1c5: {  	s0 =	simm.s32 @!p0 $0x1  }
0x1c6: {  	_ =	swait.ge @!p0 [sflag:s0], s1  }
0x1c7: {  	s1 =	ssub.s32 @!p0 $0x0, s1;
	[sflag:s0] =	ssyncset.done @!p0 $0x0  }
0x1c8: {  	[sflag:s0] =	ssyncadd.s32 @!p0 s1  }
0x1c9: {  	[bflag:$0x3] =	sbarrier.arrive $0xFFFF  }
0x1ca: {  	_ =	shalt  }

</sc_bundles>
